<compile_context>
chip_gen: v7x
topology: tpu7x:2x2x1
jax: 0.10.2.dev20260603
libtpu: 0.0.44.dev20260713+nightly
codegen_flags: <defaults>
</compile_context>

<pallas_src>
import functools

import jax
import jax.numpy as jnp
from jax import lax
from jax.experimental import pallas as pl
from jax.experimental.pallas import tpu as pltpu
from jax.experimental.pallas import tpu_sc as plsc

N = 10000
E = 320000
D = 128
NC = 2
NS = 16
NW = NC * NS
WIN = 128
WT = E // WIN
WBASE = 78
WMAIN = 76
EPW = E // NW
WIN_D = 125
NWIN_D = EPW // WIN_D
ROWS_PER_TILE = 1000

_MESH = plsc.VectorSubcoreMesh(core_axis_name="c", subcore_axis_name="s")


def _deg_body(col_hbm, zeros_hbm, cnt_hbm, colv, ones_v, deg_sh, sem):
    cid = lax.axis_index("c")
    sid = lax.axis_index("s")
    wid = sid * NC + cid

    @pl.when(sid == 0)
    def _():
        pltpu.sync_copy(zeros_hbm, deg_sh)

    for i in range(8):
        ones_v[pl.ds(i * 16, 16)] = jnp.ones((16,), jnp.float32)
    pltpu.sync_copy(col_hbm.at[wid], colv)
    plsc.subcore_barrier()

    def body(w, carry):
        pltpu.sync_copy(ones_v.at[pl.ds(0, WIN_D)], deg_sh.at[colv.at[w]],
                        add=True)
        return carry

    lax.fori_loop(0, NWIN_D, body, 0)
    plsc.subcore_barrier()

    @pl.when(sid == 0)
    def _():
        pltpu.sync_copy(deg_sh, cnt_hbm.at[cid])


_deg = pl.kernel(
    _deg_body,
    out_type=jax.ShapeDtypeStruct((NC, N), jnp.float32),
    mesh=_MESH,
    scratch_types=[
        pltpu.VMEM((NWIN_D, WIN_D), jnp.int32),
        pltpu.VMEM((128,), jnp.float32),
        pltpu.VMEM_SHARED((N,), jnp.float32),
        pltpu.SemaphoreType.DMA,
    ],
)


def _scat_body(g_hbm, row_hbm, col_hbm, zeros_hbm, out_hbm,
               idxr, b0, b1, acc_sh, i0, i1, i2, i3, g0, g1):
    cid = lax.axis_index("c")
    sid = lax.axis_index("s")
    wid = sid * NC + cid
    bufs = (b0, b1)
    gsems = (g0, g1)
    isems = (i0, i1, i2, i3)

    base = WBASE * wid + jnp.minimum(wid, 4)
    nw = jnp.where(wid < 4, WBASE + 1, WBASE)

    r0 = sid * ROWS_PER_TILE

    @pl.when(sid < N // ROWS_PER_TILE)
    def _():
        @pl.when(cid == 0)
        def _():
            pltpu.sync_copy(g_hbm.at[pl.ds(r0, ROWS_PER_TILE)],
                            acc_sh.at[pl.ds(r0, ROWS_PER_TILE)])

        @pl.when(cid == 1)
        def _():
            pltpu.sync_copy(zeros_hbm.at[pl.ds(r0, ROWS_PER_TILE)],
                            acc_sh.at[pl.ds(r0, ROWS_PER_TILE)])

    plsc.subcore_barrier()

    def rows(s):
        return idxr.at[2 * s]

    def cols(s):
        return idxr.at[2 * s + 1]

    def idx_fetch(w, s, sem):
        pltpu.async_copy(row_hbm.at[base + w], idxr.at[2 * s], sem)
        pltpu.async_copy(col_hbm.at[base + w], idxr.at[2 * s + 1], sem)

    def idx_wait(w, s, sem):
        pltpu.make_async_copy(row_hbm.at[base + w], idxr.at[2 * s],
                              sem).wait()
        pltpu.make_async_copy(col_hbm.at[base + w], idxr.at[2 * s + 1],
                              sem).wait()

    for s in range(4):
        idx_fetch(s, s, isems[s])
    for k in range(2):
        idx_wait(k, k, isems[k])
        pltpu.async_copy(g_hbm.at[cols(k)], bufs[k], gsems[k])

    def body(wg, carry):
        for j in range(4):
            w = wg * 4 + j
            b = j % 2
            sj = (j + 2) % 4
            pltpu.make_async_copy(g_hbm.at[cols(j)], bufs[b],
                                  gsems[b]).wait()
            pltpu.sync_copy(bufs[b], acc_sh.at[rows(j)], add=True)
            idx_wait(w + 2, sj, isems[sj])
            pltpu.async_copy(g_hbm.at[cols(sj)], bufs[b], gsems[b])

            @pl.when(w + 4 < nw)
            def _():
                idx_fetch(w + 4, j, isems[j])

        return carry

    lax.fori_loop(0, WMAIN // 4, body, 0)
    pltpu.make_async_copy(g_hbm.at[cols(0)], bufs[0], gsems[0]).wait()
    pltpu.sync_copy(bufs[0], acc_sh.at[rows(0)], add=True)

    @pl.when(nw > WBASE)
    def _():
        idx_wait(WBASE, 2, isems[2])
        pltpu.async_copy(g_hbm.at[cols(2)], bufs[0], gsems[0])

    pltpu.make_async_copy(g_hbm.at[cols(1)], bufs[1], gsems[1]).wait()
    pltpu.sync_copy(bufs[1], acc_sh.at[rows(1)], add=True)

    @pl.when(nw > WBASE)
    def _():
        pltpu.make_async_copy(g_hbm.at[cols(2)], bufs[0], gsems[0]).wait()
        pltpu.sync_copy(bufs[0], acc_sh.at[rows(2)], add=True)

    plsc.subcore_barrier()

    @pl.when(sid < N // ROWS_PER_TILE)
    def _():
        pltpu.sync_copy(acc_sh.at[pl.ds(r0, ROWS_PER_TILE)],
                        out_hbm.at[cid, pl.ds(r0, ROWS_PER_TILE)])


_scat = pl.kernel(
    _scat_body,
    out_type=jax.ShapeDtypeStruct((NC, N, D), jnp.float32),
    mesh=_MESH,
    scratch_types=[
        pltpu.VMEM((8, 128), jnp.int32),
        pltpu.VMEM((WIN, D), jnp.float32),
        pltpu.VMEM((WIN, D), jnp.float32),
        pltpu.VMEM_SHARED((N, D), jnp.float32),
        pltpu.SemaphoreType.DMA,
        pltpu.SemaphoreType.DMA,
        pltpu.SemaphoreType.DMA,
        pltpu.SemaphoreType.DMA,
        pltpu.SemaphoreType.DMA,
        pltpu.SemaphoreType.DMA,
    ],
)


BR = 2000


def _lin_body(x_ref, wt_ref, b_ref, h_ref):
    h_ref[...] = jnp.dot(x_ref[...], wt_ref[...],
                         preferred_element_type=jnp.float32) + b_ref[...]


_lin = pl.pallas_call(
    _lin_body,
    grid=(N // BR,),
    in_specs=[
        pl.BlockSpec((BR, D), lambda i: (i, 0)),
        pl.BlockSpec((D, D), lambda i: (0, 0)),
        pl.BlockSpec((1, D), lambda i: (0, 0)),
    ],
    out_specs=pl.BlockSpec((BR, D), lambda i: (i, 0)),
    out_shape=jax.ShapeDtypeStruct((N, D), jnp.float32),
)


def _scale_body(cnt_ref, h_ref, g_ref):
    deg = cnt_ref[:, 0:1] + cnt_ref[:, 1:2] + 1.0
    g_ref[...] = h_ref[...] * lax.rsqrt(deg)


_scale = pl.pallas_call(
    _scale_body,
    grid=(N // BR,),
    in_specs=[
        pl.BlockSpec((BR, 2), lambda i: (i, 0)),
        pl.BlockSpec((BR, D), lambda i: (i, 0)),
    ],
    out_specs=pl.BlockSpec((BR, D), lambda i: (i, 0)),
    out_shape=jax.ShapeDtypeStruct((N, D), jnp.float32),
)


def _final_body(cnt_ref, p_ref, o_ref):
    deg = cnt_ref[:, 0:1] + cnt_ref[:, 1:2] + 1.0
    dis = lax.rsqrt(deg)
    p = p_ref[...]
    o_ref[...] = dis * (p[0] + p[1])


_final = pl.pallas_call(
    _final_body,
    grid=(N // BR,),
    in_specs=[
        pl.BlockSpec((BR, 2), lambda i: (i, 0)),
        pl.BlockSpec((NC, BR, D), lambda i: (0, i, 0)),
    ],
    out_specs=pl.BlockSpec((BR, D), lambda i: (i, 0)),
    out_shape=jax.ShapeDtypeStruct((N, D), jnp.float32),
)


def kernel(x, edge_index, W, b):
    ei32 = edge_index.astype(jnp.int32)
    row2 = ei32[0].reshape(WT, WIN)
    col2 = ei32[1].reshape(WT, WIN)
    col_d = ei32[1].reshape(NW, NWIN_D, WIN_D)
    zeros1 = jnp.zeros((N,), jnp.float32)
    zeros2 = jnp.zeros((N, D), jnp.float32)

    counts = _deg(col_d, zeros1)
    cnt_t = counts.T
    h = _lin(x, W.T, b.reshape(1, D))
    g = _scale(cnt_t, h)
    P = _scat(g, row2, col2, zeros2)
    return _final(cnt_t, P)

# --- scband reference (transcript-rebuilt; emitter-appended) ---
"""Pipeline reference for scband-graph-conv-layer-47528108097882 (READ-ONLY COPY).

The authoritative reference and input builder live on the scoring server;
editing this copy changes nothing except your own understanding.
"""

import jax, jax.numpy as jnp
import numpy as np

N_NODES = 10000
N_EDGES = 320000
D_IN = 128
D_OUT = 128


def setup_inputs(seed: int = 0) -> dict:
    key = jax.random.key(seed)
    k1, k2, k3, k4 = jax.random.split(key, 4)
    x = jax.random.normal(k1, (N_NODES, D_IN), dtype=jnp.float32)
    edge_index = jax.random.randint(k2, (2, N_EDGES), 0, N_NODES, dtype=jnp.int64)
    # Linear layer params (torch nn.Linear: out = x @ W.T + b), kaiming-ish init
    bound = 1.0 / np.sqrt(D_IN)
    W = jax.random.uniform(k3, (D_OUT, D_IN), dtype=jnp.float32, minval=-bound, maxval=bound)
    b = jax.random.uniform(k4, (D_OUT,), dtype=jnp.float32, minval=-bound, maxval=bound)
    return {"x": x, "edge_index": edge_index, "W": W, "b": b}


def reference(x, edge_index, W, b):
    N = x.shape[0]
    # add_self_loops
    loop = jnp.arange(N, dtype=edge_index.dtype)
    ei = jnp.concatenate([edge_index, jnp.stack([loop, loop], axis=0)], axis=1)
    # linear
    h = x @ W.T + b
    row, col = ei[0], ei[1]
    # degree of col
    deg = jnp.zeros((N,), dtype=h.dtype).at[col].add(1.0)
    deg_inv_sqrt = jnp.where(deg > 0, deg ** -0.5, 0.0)
    norm = deg_inv_sqrt[row] * deg_inv_sqrt[col]
    # scatter-add message passing
    out = jnp.zeros_like(h).at[row].add(norm[:, None] * h[col])
    return out

if __name__ == "__main__":
    import jax
    _d = setup_inputs()
    print(jax.jit(kernel)(*tuple(_d.values())))

</pallas_src>

<mosaic_0001>
#map = affine_map<(d0, d1) -> (0, 0)>
#map1 = affine_map<(d0, d1) -> (0, 0, 0)>
module attributes {stable_mosaic.version = 14 : i64} {
  func.func @_scat_body(%arg0: i32, %arg1: i32, %arg2: memref<10000x128xf32, #tpu.memory_space<hbm>>, %arg3: memref<2500x128xi32, #tpu.memory_space<hbm>>, %arg4: memref<2500x128xi32, #tpu.memory_space<hbm>>, %arg5: memref<10000x128xf32, #tpu.memory_space<hbm>>, %arg6: memref<2x10000x128xf32, #tpu.memory_space<hbm>>, %arg7: memref<8x128xi32, #tpu.memory_space<vmem>>, %arg8: memref<128x128xf32, #tpu.memory_space<vmem>>, %arg9: memref<128x128xf32, #tpu.memory_space<vmem>>, %arg10: memref<10000x128xf32, #tpu.memory_space<vmem_shared>>, %arg11: memref<!tpu.dma_semaphore, #tpu.memory_space<semaphore_mem>>, %arg12: memref<!tpu.dma_semaphore, #tpu.memory_space<semaphore_mem>>, %arg13: memref<!tpu.dma_semaphore, #tpu.memory_space<semaphore_mem>>, %arg14: memref<!tpu.dma_semaphore, #tpu.memory_space<semaphore_mem>>, %arg15: memref<!tpu.dma_semaphore, #tpu.memory_space<semaphore_mem>>, %arg16: memref<!tpu.dma_semaphore, #tpu.memory_space<semaphore_mem>>) attributes {dimension_semantics = [#tpu.dimension_semantics<core_parallel>, #tpu.dimension_semantics<subcore_parallel>], iteration_bounds = array<i64: 2, 16>, scalar_prefetch = 0 : i64, scratch_operands = 10 : i64, tpu.core_type = #tpu.core_type<sc_vector_subcore>, window_params = [{transform_indices = #map}, {transform_indices = #map}, {transform_indices = #map}, {transform_indices = #map}, {transform_indices = #map1}]} {
    %mul3A = arith.constant 2 : i32
    %mul3A_0 = arith.muli %arg1, %mul3A : i32
    %add3A = arith.addi %mul3A_0, %arg0 : i32
    %mul3A_1 = arith.constant 78 : i32
    %mul3A_2 = arith.muli %mul3A_1, %add3A : i32
    %min3A = arith.constant 4 : i32
    %min3A_3 = arith.minsi %add3A, %min3A : i32
    %add3A_4 = arith.addi %mul3A_2, %min3A_3 : i32
    %lt3A = arith.constant 4 : i32
    %lt3A_5 = arith.cmpi slt, %add3A, %lt3A : i32
    %jit3A = arith.constant 79 : i32
    %jit3A_6 = arith.constant 78 : i32
    %select_n3A = arith.select %lt3A_5, %jit3A, %jit3A_6 : i32
    %mul3A_7 = arith.constant 1000 : i32
    %mul3A_8 = arith.muli %arg1, %mul3A_7 : i32
    %lt3A_9 = arith.constant 10 : i32
    %lt3A_10 = arith.cmpi slt, %arg1, %lt3A_9 : i32
    %convert_element_type3A = arith.extui %lt3A_10 : i1 to i32
    %cond3A = arith.constant 0 : i32
    %cond3A_11 = arith.cmpi ne, %convert_element_type3A, %cond3A : i32
    scf.if %cond3A_11 {
      %eq3A = arith.constant 0 : i32
      %eq3A_239 = arith.cmpi eq, %arg0, %eq3A : i32
      %convert_element_type3A_240 = arith.extui %eq3A_239 : i1 to i32
      %cond3A_241 = arith.constant 0 : i32
      %cond3A_242 = arith.cmpi ne, %convert_element_type3A_240, %cond3A_241 : i32
      scf.if %cond3A_242 {
        "tpu.region"() ({
          %run_scoped3A_248 = tpu.sem_alloc : memref<!tpu.dma_semaphore, #tpu.memory_space<semaphore_mem>>
          %dma_start3A_249 = arith.constant 0 : i32
          %dma_start3A_250 = tpu.memref_slice %arg10[%mul3A_8, %dma_start3A_249] : memref<10000x128xf32, #tpu.memory_space<vmem_shared>> -> memref<1000x128xf32, #tpu.memory_space<vmem_shared>>
          %dma_start3A_251 = arith.constant 0 : i32
          %dma_start3A_252 = tpu.memref_slice %arg2[%mul3A_8, %dma_start3A_251] : memref<10000x128xf32, #tpu.memory_space<hbm>> -> memref<1000x128xf32, #tpu.memory_space<hbm>>
          tpu.enqueue_dma source(%dma_start3A_252 : memref<1000x128xf32, #tpu.memory_space<hbm>>) target(%dma_start3A_250 : memref<1000x128xf32, #tpu.memory_space<vmem_shared>>) target_semaphore(%run_scoped3A_248 : memref<!tpu.dma_semaphore, #tpu.memory_space<semaphore_mem>>)
          %dma_wait3A_253 = arith.constant 0 : i32
          %dma_wait3A_254 = tpu.memref_slice %arg10[%mul3A_8, %dma_wait3A_253] : memref<10000x128xf32, #tpu.memory_space<vmem_shared>> -> memref<1000x128xf32, #tpu.memory_space<vmem_shared>>
          %dma_wait3A_255 = arith.constant 0 : i32
          %dma_wait3A_256 = tpu.memref_slice %arg2[%mul3A_8, %dma_wait3A_255] : memref<10000x128xf32, #tpu.memory_space<hbm>> -> memref<1000x128xf32, #tpu.memory_space<hbm>>
          tpu.wait_dma2 semaphore(%run_scoped3A_248 : memref<!tpu.dma_semaphore, #tpu.memory_space<semaphore_mem>>) src(%dma_wait3A_256 : memref<1000x128xf32, #tpu.memory_space<hbm>>) dst(%dma_wait3A_254 : memref<1000x128xf32, #tpu.memory_space<vmem_shared>>)
          tpu.yield
        }) : () -> ()
      } else {
      }
      %eq3A_243 = arith.constant 1 : i32
      %eq3A_244 = arith.cmpi eq, %arg0, %eq3A_243 : i32
      %convert_element_type3A_245 = arith.extui %eq3A_244 : i1 to i32
      %cond3A_246 = arith.constant 0 : i32
      %cond3A_247 = arith.cmpi ne, %convert_element_type3A_245, %cond3A_246 : i32
      scf.if %cond3A_247 {
        "tpu.region"() ({
          %run_scoped3A_248 = tpu.sem_alloc : memref<!tpu.dma_semaphore, #tpu.memory_space<semaphore_mem>>
          %dma_start3A_249 = arith.constant 0 : i32
          %dma_start3A_250 = tpu.memref_slice %arg10[%mul3A_8, %dma_start3A_249] : memref<10000x128xf32, #tpu.memory_space<vmem_shared>> -> memref<1000x128xf32, #tpu.memory_space<vmem_shared>>
          %dma_start3A_251 = arith.constant 0 : i32
          %dma_start3A_252 = tpu.memref_slice %arg5[%mul3A_8, %dma_start3A_251] : memref<10000x128xf32, #tpu.memory_space<hbm>> -> memref<1000x128xf32, #tpu.memory_space<hbm>>
          tpu.enqueue_dma source(%dma_start3A_252 : memref<1000x128xf32, #tpu.memory_space<hbm>>) target(%dma_start3A_250 : memref<1000x128xf32, #tpu.memory_space<vmem_shared>>) target_semaphore(%run_scoped3A_248 : memref<!tpu.dma_semaphore, #tpu.memory_space<semaphore_mem>>)
          %dma_wait3A_253 = arith.constant 0 : i32
          %dma_wait3A_254 = tpu.memref_slice %arg10[%mul3A_8, %dma_wait3A_253] : memref<10000x128xf32, #tpu.memory_space<vmem_shared>> -> memref<1000x128xf32, #tpu.memory_space<vmem_shared>>
          %dma_wait3A_255 = arith.constant 0 : i32
          %dma_wait3A_256 = tpu.memref_slice %arg5[%mul3A_8, %dma_wait3A_255] : memref<10000x128xf32, #tpu.memory_space<hbm>> -> memref<1000x128xf32, #tpu.memory_space<hbm>>
          tpu.wait_dma2 semaphore(%run_scoped3A_248 : memref<!tpu.dma_semaphore, #tpu.memory_space<semaphore_mem>>) src(%dma_wait3A_256 : memref<1000x128xf32, #tpu.memory_space<hbm>>) dst(%dma_wait3A_254 : memref<1000x128xf32, #tpu.memory_space<vmem_shared>>)
          tpu.yield
        }) : () -> ()
      } else {
      }
    } else {
    }
    %barrier3A = arith.constant 0 : index
    tpu.barrier barrier_id(%barrier3A)
    %add3A_12 = arith.constant 0 : i32
    %add3A_13 = arith.addi %add3A_4, %add3A_12 : i32
    %dma_start3A = arith.constant 0 : i32
    %dma_start3A_14 = arith.constant 0 : i32
    %dma_start3A_15 = tpu.memref_slice %arg7[%dma_start3A, %dma_start3A_14] : memref<8x128xi32, #tpu.memory_space<vmem>> -> memref<1x128xi32, #tpu.memory_space<vmem>>
    %dma_start3A_16 = tpu.memref_squeeze %dma_start3A_15 : memref<1x128xi32, #tpu.memory_space<vmem>> -> memref<128xi32, #tpu.memory_space<vmem>>
    %dma_start3A_17 = arith.constant 0 : i32
    %dma_start3A_18 = tpu.memref_slice %arg3[%add3A_13, %dma_start3A_17] : memref<2500x128xi32, #tpu.memory_space<hbm>> -> memref<1x128xi32, #tpu.memory_space<hbm>>
    %dma_start3A_19 = tpu.memref_squeeze %dma_start3A_18 : memref<1x128xi32, #tpu.memory_space<hbm>> -> memref<128xi32, #tpu.memory_space<hbm>>
    %dma_start3A_20 = arith.constant 0 : i32
    %dma_start3A_21 = tpu.memref_slice %arg7[%dma_start3A, %dma_start3A_20] : memref<8x128xi32, #tpu.memory_space<vmem>> -> memref<1x128xi32, #tpu.memory_space<vmem>>
    %dma_start3A_22 = tpu.memref_squeeze %dma_start3A_21 : memref<1x128xi32, #tpu.memory_space<vmem>> -> memref<128xi32, #tpu.memory_space<vmem>>
    %dma_start3A_23 = arith.constant 0 : i32
    %dma_start3A_24 = tpu.memref_slice %arg3[%add3A_13, %dma_start3A_23] : memref<2500x128xi32, #tpu.memory_space<hbm>> -> memref<1x128xi32, #tpu.memory_space<hbm>>
    %dma_start3A_25 = tpu.memref_squeeze %dma_start3A_24 : memref<1x128xi32, #tpu.memory_space<hbm>> -> memref<128xi32, #tpu.memory_space<hbm>>
    tpu.enqueue_dma source(%dma_start3A_25 : memref<128xi32, #tpu.memory_space<hbm>>) target(%dma_start3A_22 : memref<128xi32, #tpu.memory_space<vmem>>) target_semaphore(%arg11 : memref<!tpu.dma_semaphore, #tpu.memory_space<semaphore_mem>>)
    %add3A_26 = arith.constant 0 : i32
    %add3A_27 = arith.addi %add3A_4, %add3A_26 : i32
    %dma_start3A_28 = arith.constant 1 : i32
    %dma_start3A_29 = arith.constant 0 : i32
    %dma_start3A_30 = tpu.memref_slice %arg7[%dma_start3A_28, %dma_start3A_29] : memref<8x128xi32, #tpu.memory_space<vmem>> -> memref<1x128xi32, #tpu.memory_space<vmem>>
    %dma_start3A_31 = tpu.memref_squeeze %dma_start3A_30 : memref<1x128xi32, #tpu.memory_space<vmem>> -> memref<128xi32, #tpu.memory_space<vmem>>
    %dma_start3A_32 = arith.constant 0 : i32
    %dma_start3A_33 = tpu.memref_slice %arg4[%add3A_27, %dma_start3A_32] : memref<2500x128xi32, #tpu.memory_space<hbm>> -> memref<1x128xi32, #tpu.memory_space<hbm>>
    %dma_start3A_34 = tpu.memref_squeeze %dma_start3A_33 : memref<1x128xi32, #tpu.memory_space<hbm>> -> memref<128xi32, #tpu.memory_space<hbm>>
    %dma_start3A_35 = arith.constant 0 : i32
    %dma_start3A_36 = tpu.memref_slice %arg7[%dma_start3A_28, %dma_start3A_35] : memref<8x128xi32, #tpu.memory_space<vmem>> -> memref<1x128xi32, #tpu.memory_space<vmem>>
    %dma_start3A_37 = tpu.memref_squeeze %dma_start3A_36 : memref<1x128xi32, #tpu.memory_space<vmem>> -> memref<128xi32, #tpu.memory_space<vmem>>
    %dma_start3A_38 = arith.constant 0 : i32
    %dma_start3A_39 = tpu.memref_slice %arg4[%add3A_27, %dma_start3A_38] : memref<2500x128xi32, #tpu.memory_space<hbm>> -> memref<1x128xi32, #tpu.memory_space<hbm>>
    %dma_start3A_40 = tpu.memref_squeeze %dma_start3A_39 : memref<1x128xi32, #tpu.memory_space<hbm>> -> memref<128xi32, #tpu.memory_space<hbm>>
    tpu.enqueue_dma source(%dma_start3A_40 : memref<128xi32, #tpu.memory_space<hbm>>) target(%dma_start3A_37 : memref<128xi32, #tpu.memory_space<vmem>>) target_semaphore(%arg11 : memref<!tpu.dma_semaphore, #tpu.memory_space<semaphore_mem>>)
    %add3A_41 = arith.constant 1 : i32
    %add3A_42 = arith.addi %add3A_4, %add3A_41 : i32
    %dma_start3A_43 = arith.constant 2 : i32
    %dma_start3A_44 = arith.constant 0 : i32
    %dma_start3A_45 = tpu.memref_slice %arg7[%dma_start3A_43, %dma_start3A_44] : memref<8x128xi32, #tpu.memory_space<vmem>> -> memref<1x128xi32, #tpu.memory_space<vmem>>
    %dma_start3A_46 = tpu.memref_squeeze %dma_start3A_45 : memref<1x128xi32, #tpu.memory_space<vmem>> -> memref<128xi32, #tpu.memory_space<vmem>>
    %dma_start3A_47 = arith.constant 0 : i32
    %dma_start3A_48 = tpu.memref_slice %arg3[%add3A_42, %dma_start3A_47] : memref<2500x128xi32, #tpu.memory_space<hbm>> -> memref<1x128xi32, #tpu.memory_space<hbm>>
    %dma_start3A_49 = tpu.memref_squeeze %dma_start3A_48 : memref<1x128xi32, #tpu.memory_space<hbm>> -> memref<128xi32, #tpu.memory_space<hbm>>
    %dma_start3A_50 = arith.constant 0 : i32
    %dma_start3A_51 = tpu.memref_slice %arg7[%dma_start3A_43, %dma_start3A_50] : memref<8x128xi32, #tpu.memory_space<vmem>> -> memref<1x128xi32, #tpu.memory_space<vmem>>
    %dma_start3A_52 = tpu.memref_squeeze %dma_start3A_51 : memref<1x128xi32, #tpu.memory_space<vmem>> -> memref<128xi32, #tpu.memory_space<vmem>>
    %dma_start3A_53 = arith.constant 0 : i32
    %dma_start3A_54 = tpu.memref_slice %arg3[%add3A_42, %dma_start3A_53] : memref<2500x128xi32, #tpu.memory_space<hbm>> -> memref<1x128xi32, #tpu.memory_space<hbm>>
    %dma_start3A_55 = tpu.memref_squeeze %dma_start3A_54 : memref<1x128xi32, #tpu.memory_space<hbm>> -> memref<128xi32, #tpu.memory_space<hbm>>
    tpu.enqueue_dma source(%dma_start3A_55 : memref<128xi32, #tpu.memory_space<hbm>>) target(%dma_start3A_52 : memref<128xi32, #tpu.memory_space<vmem>>) target_semaphore(%arg12 : memref<!tpu.dma_semaphore, #tpu.memory_space<semaphore_mem>>)
    %add3A_56 = arith.constant 1 : i32
    %add3A_57 = arith.addi %add3A_4, %add3A_56 : i32
    %dma_start3A_58 = arith.constant 3 : i32
    %dma_start3A_59 = arith.constant 0 : i32
    %dma_start3A_60 = tpu.memref_slice %arg7[%dma_start3A_58, %dma_start3A_59] : memref<8x128xi32, #tpu.memory_space<vmem>> -> memref<1x128xi32, #tpu.memory_space<vmem>>
    %dma_start3A_61 = tpu.memref_squeeze %dma_start3A_60 : memref<1x128xi32, #tpu.memory_space<vmem>> -> memref<128xi32, #tpu.memory_space<vmem>>
    %dma_start3A_62 = arith.constant 0 : i32
    %dma_start3A_63 = tpu.memref_slice %arg4[%add3A_57, %dma_start3A_62] : memref<2500x128xi32, #tpu.memory_space<hbm>> -> memref<1x128xi32, #tpu.memory_space<hbm>>
    %dma_start3A_64 = tpu.memref_squeeze %dma_start3A_63 : memref<1x128xi32, #tpu.memory_space<hbm>> -> memref<128xi32, #tpu.memory_space<hbm>>
    %dma_start3A_65 = arith.constant 0 : i32
    %dma_start3A_66 = tpu.memref_slice %arg7[%dma_start3A_58, %dma_start3A_65] : memref<8x128xi32, #tpu.memory_space<vmem>> -> memref<1x128xi32, #tpu.memory_space<vmem>>
    %dma_start3A_67 = tpu.memref_squeeze %dma_start3A_66 : memref<1x128xi32, #tpu.memory_space<vmem>> -> memref<128xi32, #tpu.memory_space<vmem>>
    %dma_start3A_68 = arith.constant 0 : i32
    %dma_start3A_69 = tpu.memref_slice %arg4[%add3A_57, %dma_start3A_68] : memref<2500x128xi32, #tpu.memory_space<hbm>> -> memref<1x128xi32, #tpu.memory_space<hbm>>
    %dma_start3A_70 = tpu.memref_squeeze %dma_start3A_69 : memref<1x128xi32, #tpu.memory_space<hbm>> -> memref<128xi32, #tpu.memory_space<hbm>>
    tpu.enqueue_dma source(%dma_start3A_70 : memref<128xi32, #tpu.memory_space<hbm>>) target(%dma_start3A_67 : memref<128xi32, #tpu.memory_space<vmem>>) target_semaphore(%arg12 : memref<!tpu.dma_semaphore, #tpu.memory_space<semaphore_mem>>)
    %add3A_71 = arith.constant 2 : i32
    %add3A_72 = arith.addi %add3A_4, %add3A_71 : i32
    %dma_start3A_73 = arith.constant 4 : i32
    %dma_start3A_74 = arith.constant 0 : i32
    %dma_start3A_75 = tpu.memref_slice %arg7[%dma_start3A_73, %dma_start3A_74] : memref<8x128xi32, #tpu.memory_space<vmem>> -> memref<1x128xi32, #tpu.memory_space<vmem>>
    %dma_start3A_76 = tpu.memref_squeeze %dma_start3A_75 : memref<1x128xi32, #tpu.memory_space<vmem>> -> memref<128xi32, #tpu.memory_space<vmem>>
    %dma_start3A_77 = arith.constant 0 : i32
    %dma_start3A_78 = tpu.memref_slice %arg3[%add3A_72, %dma_start3A_77] : memref<2500x128xi32, #tpu.memory_space<hbm>> -> memref<1x128xi32, #tpu.memory_space<hbm>>
    %dma_start3A_79 = tpu.memref_squeeze %dma_start3A_78 : memref<1x128xi32, #tpu.memory_space<hbm>> -> memref<128xi32, #tpu.memory_space<hbm>>
    %dma_start3A_80 = arith.constant 0 : i32
    %dma_start3A_81 = tpu.memref_slice %arg7[%dma_start3A_73, %dma_start3A_80] : memref<8x128xi32, #tpu.memory_space<vmem>> -> memref<1x128xi32, #tpu.memory_space<vmem>>
    %dma_start3A_82 = tpu.memref_squeeze %dma_start3A_81 : memref<1x128xi32, #tpu.memory_space<vmem>> -> memref<128xi32, #tpu.memory_space<vmem>>
    %dma_start3A_83 = arith.constant 0 : i32
    %dma_start3A_84 = tpu.memref_slice %arg3[%add3A_72, %dma_start3A_83] : memref<2500x128xi32, #tpu.memory_space<hbm>> -> memref<1x128xi32, #tpu.memory_space<hbm>>
    %dma_start3A_85 = tpu.memref_squeeze %dma_start3A_84 : memref<1x128xi32, #tpu.memory_space<hbm>> -> memref<128xi32, #tpu.memory_space<hbm>>
    tpu.enqueue_dma source(%dma_start3A_85 : memref<128xi32, #tpu.memory_space<hbm>>) target(%dma_start3A_82 : memref<128xi32, #tpu.memory_space<vmem>>) target_semaphore(%arg13 : memref<!tpu.dma_semaphore, #tpu.memory_space<semaphore_mem>>)
    %add3A_86 = arith.constant 2 : i32
    %add3A_87 = arith.addi %add3A_4, %add3A_86 : i32
    %dma_start3A_88 = arith.constant 5 : i32
    %dma_start3A_89 = arith.constant 0 : i32
    %dma_start3A_90 = tpu.memref_slice %arg7[%dma_start3A_88, %dma_start3A_89] : memref<8x128xi32, #tpu.memory_space<vmem>> -> memref<1x128xi32, #tpu.memory_space<vmem>>
    %dma_start3A_91 = tpu.memref_squeeze %dma_start3A_90 : memref<1x128xi32, #tpu.memory_space<vmem>> -> memref<128xi32, #tpu.memory_space<vmem>>
    %dma_start3A_92 = arith.constant 0 : i32
    %dma_start3A_93 = tpu.memref_slice %arg4[%add3A_87, %dma_start3A_92] : memref<2500x128xi32, #tpu.memory_space<hbm>> -> memref<1x128xi32, #tpu.memory_space<hbm>>
    %dma_start3A_94 = tpu.memref_squeeze %dma_start3A_93 : memref<1x128xi32, #tpu.memory_space<hbm>> -> memref<128xi32, #tpu.memory_space<hbm>>
    %dma_start3A_95 = arith.constant 0 : i32
    %dma_start3A_96 = tpu.memref_slice %arg7[%dma_start3A_88, %dma_start3A_95] : memref<8x128xi32, #tpu.memory_space<vmem>> -> memref<1x128xi32, #tpu.memory_space<vmem>>
    %dma_start3A_97 = tpu.memref_squeeze %dma_start3A_96 : memref<1x128xi32, #tpu.memory_space<vmem>> -> memref<128xi32, #tpu.memory_space<vmem>>
    %dma_start3A_98 = arith.constant 0 : i32
    %dma_start3A_99 = tpu.memref_slice %arg4[%add3A_87, %dma_start3A_98] : memref<2500x128xi32, #tpu.memory_space<hbm>> -> memref<1x128xi32, #tpu.memory_space<hbm>>
    %dma_start3A_100 = tpu.memref_squeeze %dma_start3A_99 : memref<1x128xi32, #tpu.memory_space<hbm>> -> memref<128xi32, #tpu.memory_space<hbm>>
    tpu.enqueue_dma source(%dma_start3A_100 : memref<128xi32, #tpu.memory_space<hbm>>) target(%dma_start3A_97 : memref<128xi32, #tpu.memory_space<vmem>>) target_semaphore(%arg13 : memref<!tpu.dma_semaphore, #tpu.memory_space<semaphore_mem>>)
    %add3A_101 = arith.constant 3 : i32
    %add3A_102 = arith.addi %add3A_4, %add3A_101 : i32
    %dma_start3A_103 = arith.constant 6 : i32
    %dma_start3A_104 = arith.constant 0 : i32
    %dma_start3A_105 = tpu.memref_slice %arg7[%dma_start3A_103, %dma_start3A_104] : memref<8x128xi32, #tpu.memory_space<vmem>> -> memref<1x128xi32, #tpu.memory_space<vmem>>
    %dma_start3A_106 = tpu.memref_squeeze %dma_start3A_105 : memref<1x128xi32, #tpu.memory_space<vmem>> -> memref<128xi32, #tpu.memory_space<vmem>>
    %dma_start3A_107 = arith.constant 0 : i32
    %dma_start3A_108 = tpu.memref_slice %arg3[%add3A_102, %dma_start3A_107] : memref<2500x128xi32, #tpu.memory_space<hbm>> -> memref<1x128xi32, #tpu.memory_space<hbm>>
    %dma_start3A_109 = tpu.memref_squeeze %dma_start3A_108 : memref<1x128xi32, #tpu.memory_space<hbm>> -> memref<128xi32, #tpu.memory_space<hbm>>
    %dma_start3A_110 = arith.constant 0 : i32
    %dma_start3A_111 = tpu.memref_slice %arg7[%dma_start3A_103, %dma_start3A_110] : memref<8x128xi32, #tpu.memory_space<vmem>> -> memref<1x128xi32, #tpu.memory_space<vmem>>
    %dma_start3A_112 = tpu.memref_squeeze %dma_start3A_111 : memref<1x128xi32, #tpu.memory_space<vmem>> -> memref<128xi32, #tpu.memory_space<vmem>>
    %dma_start3A_113 = arith.constant 0 : i32
    %dma_start3A_114 = tpu.memref_slice %arg3[%add3A_102, %dma_start3A_113] : memref<2500x128xi32, #tpu.memory_space<hbm>> -> memref<1x128xi32, #tpu.memory_space<hbm>>
    %dma_start3A_115 = tpu.memref_squeeze %dma_start3A_114 : memref<1x128xi32, #tpu.memory_space<hbm>> -> memref<128xi32, #tpu.memory_space<hbm>>
    tpu.enqueue_dma source(%dma_start3A_115 : memref<128xi32, #tpu.memory_space<hbm>>) target(%dma_start3A_112 : memref<128xi32, #tpu.memory_space<vmem>>) target_semaphore(%arg14 : memref<!tpu.dma_semaphore, #tpu.memory_space<semaphore_mem>>)
    %add3A_116 = arith.constant 3 : i32
    %add3A_117 = arith.addi %add3A_4, %add3A_116 : i32
    %dma_start3A_118 = arith.constant 7 : i32
    %dma_start3A_119 = arith.constant 0 : i32
    %dma_start3A_120 = tpu.memref_slice %arg7[%dma_start3A_118, %dma_start3A_119] : memref<8x128xi32, #tpu.memory_space<vmem>> -> memref<1x128xi32, #tpu.memory_space<vmem>>
    %dma_start3A_121 = tpu.memref_squeeze %dma_start3A_120 : memref<1x128xi32, #tpu.memory_space<vmem>> -> memref<128xi32, #tpu.memory_space<vmem>>
    %dma_start3A_122 = arith.constant 0 : i32
    %dma_start3A_123 = tpu.memref_slice %arg4[%add3A_117, %dma_start3A_122] : memref<2500x128xi32, #tpu.memory_space<hbm>> -> memref<1x128xi32, #tpu.memory_space<hbm>>
    %dma_start3A_124 = tpu.memref_squeeze %dma_start3A_123 : memref<1x128xi32, #tpu.memory_space<hbm>> -> memref<128xi32, #tpu.memory_space<hbm>>
    %dma_start3A_125 = arith.constant 0 : i32
    %dma_start3A_126 = tpu.memref_slice %arg7[%dma_start3A_118, %dma_start3A_125] : memref<8x128xi32, #tpu.memory_space<vmem>> -> memref<1x128xi32, #tpu.memory_space<vmem>>
    %dma_start3A_127 = tpu.memref_squeeze %dma_start3A_126 : memref<1x128xi32, #tpu.memory_space<vmem>> -> memref<128xi32, #tpu.memory_space<vmem>>
    %dma_start3A_128 = arith.constant 0 : i32
    %dma_start3A_129 = tpu.memref_slice %arg4[%add3A_117, %dma_start3A_128] : memref<2500x128xi32, #tpu.memory_space<hbm>> -> memref<1x128xi32, #tpu.memory_space<hbm>>
    %dma_start3A_130 = tpu.memref_squeeze %dma_start3A_129 : memref<1x128xi32, #tpu.memory_space<hbm>> -> memref<128xi32, #tpu.memory_space<hbm>>
    tpu.enqueue_dma source(%dma_start3A_130 : memref<128xi32, #tpu.memory_space<hbm>>) target(%dma_start3A_127 : memref<128xi32, #tpu.memory_space<vmem>>) target_semaphore(%arg14 : memref<!tpu.dma_semaphore, #tpu.memory_space<semaphore_mem>>)
    %add3A_131 = arith.constant 0 : i32
    %add3A_132 = arith.addi %add3A_4, %add3A_131 : i32
    %dma_wait3A = arith.constant 0 : i32
    %dma_wait3A_133 = arith.constant 0 : i32
    %dma_wait3A_134 = tpu.memref_slice %arg7[%dma_wait3A, %dma_wait3A_133] : memref<8x128xi32, #tpu.memory_space<vmem>> -> memref<1x128xi32, #tpu.memory_space<vmem>>
    %dma_wait3A_135 = tpu.memref_squeeze %dma_wait3A_134 : memref<1x128xi32, #tpu.memory_space<vmem>> -> memref<128xi32, #tpu.memory_space<vmem>>
    %dma_wait3A_136 = arith.constant 0 : i32
    %dma_wait3A_137 = tpu.memref_slice %arg3[%add3A_132, %dma_wait3A_136] : memref<2500x128xi32, #tpu.memory_space<hbm>> -> memref<1x128xi32, #tpu.memory_space<hbm>>
    %dma_wait3A_138 = tpu.memref_squeeze %dma_wait3A_137 : memref<1x128xi32, #tpu.memory_space<hbm>> -> memref<128xi32, #tpu.memory_space<hbm>>
    %dma_wait3A_139 = arith.constant 0 : i32
    %dma_wait3A_140 = tpu.memref_slice %arg7[%dma_wait3A, %dma_wait3A_139] : memref<8x128xi32, #tpu.memory_space<vmem>> -> memref<1x128xi32, #tpu.memory_space<vmem>>
    %dma_wait3A_141 = tpu.memref_squeeze %dma_wait3A_140 : memref<1x128xi32, #tpu.memory_space<vmem>> -> memref<128xi32, #tpu.memory_space<vmem>>
    %dma_wait3A_142 = arith.constant 0 : i32
    %dma_wait3A_143 = tpu.memref_slice %arg3[%add3A_132, %dma_wait3A_142] : memref<2500x128xi32, #tpu.memory_space<hbm>> -> memref<1x128xi32, #tpu.memory_space<hbm>>
    %dma_wait3A_144 = tpu.memref_squeeze %dma_wait3A_143 : memref<1x128xi32, #tpu.memory_space<hbm>> -> memref<128xi32, #tpu.memory_space<hbm>>
    tpu.wait_dma2 semaphore(%arg11 : memref<!tpu.dma_semaphore, #tpu.memory_space<semaphore_mem>>) src(%dma_wait3A_144 : memref<128xi32, #tpu.memory_space<hbm>>) dst(%dma_wait3A_141 : memref<128xi32, #tpu.memory_space<vmem>>)
    %add3A_145 = arith.constant 0 : i32
    %add3A_146 = arith.addi %add3A_4, %add3A_145 : i32
    %dma_wait3A_147 = arith.constant 1 : i32
    %dma_wait3A_148 = arith.constant 0 : i32
    %dma_wait3A_149 = tpu.memref_slice %arg7[%dma_wait3A_147, %dma_wait3A_148] : memref<8x128xi32, #tpu.memory_space<vmem>> -> memref<1x128xi32, #tpu.memory_space<vmem>>
    %dma_wait3A_150 = tpu.memref_squeeze %dma_wait3A_149 : memref<1x128xi32, #tpu.memory_space<vmem>> -> memref<128xi32, #tpu.memory_space<vmem>>
    %dma_wait3A_151 = arith.constant 0 : i32
    %dma_wait3A_152 = tpu.memref_slice %arg4[%add3A_146, %dma_wait3A_151] : memref<2500x128xi32, #tpu.memory_space<hbm>> -> memref<1x128xi32, #tpu.memory_space<hbm>>
    %dma_wait3A_153 = tpu.memref_squeeze %dma_wait3A_152 : memref<1x128xi32, #tpu.memory_space<hbm>> -> memref<128xi32, #tpu.memory_space<hbm>>
    %dma_wait3A_154 = arith.constant 0 : i32
    %dma_wait3A_155 = tpu.memref_slice %arg7[%dma_wait3A_147, %dma_wait3A_154] : memref<8x128xi32, #tpu.memory_space<vmem>> -> memref<1x128xi32, #tpu.memory_space<vmem>>
    %dma_wait3A_156 = tpu.memref_squeeze %dma_wait3A_155 : memref<1x128xi32, #tpu.memory_space<vmem>> -> memref<128xi32, #tpu.memory_space<vmem>>
    %dma_wait3A_157 = arith.constant 0 : i32
    %dma_wait3A_158 = tpu.memref_slice %arg4[%add3A_146, %dma_wait3A_157] : memref<2500x128xi32, #tpu.memory_space<hbm>> -> memref<1x128xi32, #tpu.memory_space<hbm>>
    %dma_wait3A_159 = tpu.memref_squeeze %dma_wait3A_158 : memref<1x128xi32, #tpu.memory_space<hbm>> -> memref<128xi32, #tpu.memory_space<hbm>>
    tpu.wait_dma2 semaphore(%arg11 : memref<!tpu.dma_semaphore, #tpu.memory_space<semaphore_mem>>) src(%dma_wait3A_159 : memref<128xi32, #tpu.memory_space<hbm>>) dst(%dma_wait3A_156 : memref<128xi32, #tpu.memory_space<vmem>>)
    %dma_start3A_160 = arith.constant 1 : i32
    %dma_start3A_161 = arith.constant 0 : i32
    %dma_start3A_162 = tpu.memref_slice %arg7[%dma_start3A_160, %dma_start3A_161] : memref<8x128xi32, #tpu.memory_space<vmem>> -> memref<1x128xi32, #tpu.memory_space<vmem>>
    %dma_start3A_163 = tpu.memref_squeeze %dma_start3A_162 : memref<1x128xi32, #tpu.memory_space<vmem>> -> memref<128xi32, #tpu.memory_space<vmem>>
    %dma_start3A_164 = arith.constant 0 : i32
    %dma_start3A_165 = arith.constant 0 : i32
    %dma_start3A_166 = tpu.memref_slice %arg2[%dma_start3A_164, %dma_start3A_165] : memref<10000x128xf32, #tpu.memory_space<hbm>> -> memref<10000x128xf32, #tpu.memory_space<hbm>>
    tpu.enqueue_indirect_dma source(%dma_start3A_166 : memref<10000x128xf32, #tpu.memory_space<hbm>>) target(%arg8 : memref<128x128xf32, #tpu.memory_space<vmem>>) offsets(%dma_start3A_163 : memref<128xi32, #tpu.memory_space<vmem>>) semaphore(%arg15 : memref<!tpu.dma_semaphore, #tpu.memory_space<semaphore_mem>>)
    %add3A_167 = arith.constant 1 : i32
    %add3A_168 = arith.addi %add3A_4, %add3A_167 : i32
    %dma_wait3A_169 = arith.constant 2 : i32
    %dma_wait3A_170 = arith.constant 0 : i32
    %dma_wait3A_171 = tpu.memref_slice %arg7[%dma_wait3A_169, %dma_wait3A_170] : memref<8x128xi32, #tpu.memory_space<vmem>> -> memref<1x128xi32, #tpu.memory_space<vmem>>
    %dma_wait3A_172 = tpu.memref_squeeze %dma_wait3A_171 : memref<1x128xi32, #tpu.memory_space<vmem>> -> memref<128xi32, #tpu.memory_space<vmem>>
    %dma_wait3A_173 = arith.constant 0 : i32
    %dma_wait3A_174 = tpu.memref_slice %arg3[%add3A_168, %dma_wait3A_173] : memref<2500x128xi32, #tpu.memory_space<hbm>> -> memref<1x128xi32, #tpu.memory_space<hbm>>
    %dma_wait3A_175 = tpu.memref_squeeze %dma_wait3A_174 : memref<1x128xi32, #tpu.memory_space<hbm>> -> memref<128xi32, #tpu.memory_space<hbm>>
    %dma_wait3A_176 = arith.constant 0 : i32
    %dma_wait3A_177 = tpu.memref_slice %arg7[%dma_wait3A_169, %dma_wait3A_176] : memref<8x128xi32, #tpu.memory_space<vmem>> -> memref<1x128xi32, #tpu.memory_space<vmem>>
    %dma_wait3A_178 = tpu.memref_squeeze %dma_wait3A_177 : memref<1x128xi32, #tpu.memory_space<vmem>> -> memref<128xi32, #tpu.memory_space<vmem>>
    %dma_wait3A_179 = arith.constant 0 : i32
    %dma_wait3A_180 = tpu.memref_slice %arg3[%add3A_168, %dma_wait3A_179] : memref<2500x128xi32, #tpu.memory_space<hbm>> -> memref<1x128xi32, #tpu.memory_space<hbm>>
    %dma_wait3A_181 = tpu.memref_squeeze %dma_wait3A_180 : memref<1x128xi32, #tpu.memory_space<hbm>> -> memref<128xi32, #tpu.memory_space<hbm>>
    tpu.wait_dma2 semaphore(%arg12 : memref<!tpu.dma_semaphore, #tpu.memory_space<semaphore_mem>>) src(%dma_wait3A_181 : memref<128xi32, #tpu.memory_space<hbm>>) dst(%dma_wait3A_178 : memref<128xi32, #tpu.memory_space<vmem>>)
    %add3A_182 = arith.constant 1 : i32
    %add3A_183 = arith.addi %add3A_4, %add3A_182 : i32
    %dma_wait3A_184 = arith.constant 3 : i32
    %dma_wait3A_185 = arith.constant 0 : i32
    %dma_wait3A_186 = tpu.memref_slice %arg7[%dma_wait3A_184, %dma_wait3A_185] : memref<8x128xi32, #tpu.memory_space<vmem>> -> memref<1x128xi32, #tpu.memory_space<vmem>>
    %dma_wait3A_187 = tpu.memref_squeeze %dma_wait3A_186 : memref<1x128xi32, #tpu.memory_space<vmem>> -> memref<128xi32, #tpu.memory_space<vmem>>
    %dma_wait3A_188 = arith.constant 0 : i32
    %dma_wait3A_189 = tpu.memref_slice %arg4[%add3A_183, %dma_wait3A_188] : memref<2500x128xi32, #tpu.memory_space<hbm>> -> memref<1x128xi32, #tpu.memory_space<hbm>>
    %dma_wait3A_190 = tpu.memref_squeeze %dma_wait3A_189 : memref<1x128xi32, #tpu.memory_space<hbm>> -> memref<128xi32, #tpu.memory_space<hbm>>
    %dma_wait3A_191 = arith.constant 0 : i32
    %dma_wait3A_192 = tpu.memref_slice %arg7[%dma_wait3A_184, %dma_wait3A_191] : memref<8x128xi32, #tpu.memory_space<vmem>> -> memref<1x128xi32, #tpu.memory_space<vmem>>
    %dma_wait3A_193 = tpu.memref_squeeze %dma_wait3A_192 : memref<1x128xi32, #tpu.memory_space<vmem>> -> memref<128xi32, #tpu.memory_space<vmem>>
    %dma_wait3A_194 = arith.constant 0 : i32
    %dma_wait3A_195 = tpu.memref_slice %arg4[%add3A_183, %dma_wait3A_194] : memref<2500x128xi32, #tpu.memory_space<hbm>> -> memref<1x128xi32, #tpu.memory_space<hbm>>
    %dma_wait3A_196 = tpu.memref_squeeze %dma_wait3A_195 : memref<1x128xi32, #tpu.memory_space<hbm>> -> memref<128xi32, #tpu.memory_space<hbm>>
    tpu.wait_dma2 semaphore(%arg12 : memref<!tpu.dma_semaphore, #tpu.memory_space<semaphore_mem>>) src(%dma_wait3A_196 : memref<128xi32, #tpu.memory_space<hbm>>) dst(%dma_wait3A_193 : memref<128xi32, #tpu.memory_space<vmem>>)
    %dma_start3A_197 = arith.constant 3 : i32
    %dma_start3A_198 = arith.constant 0 : i32
    %dma_start3A_199 = tpu.memref_slice %arg7[%dma_start3A_197, %dma_start3A_198] : memref<8x128xi32, #tpu.memory_space<vmem>> -> memref<1x128xi32, #tpu.memory_space<vmem>>
    %dma_start3A_200 = tpu.memref_squeeze %dma_start3A_199 : memref<1x128xi32, #tpu.memory_space<vmem>> -> memref<128xi32, #tpu.memory_space<vmem>>
    %dma_start3A_201 = arith.constant 0 : i32
    %dma_start3A_202 = arith.constant 0 : i32
    %dma_start3A_203 = tpu.memref_slice %arg2[%dma_start3A_201, %dma_start3A_202] : memref<10000x128xf32, #tpu.memory_space<hbm>> -> memref<10000x128xf32, #tpu.memory_space<hbm>>
    tpu.enqueue_indirect_dma source(%dma_start3A_203 : memref<10000x128xf32, #tpu.memory_space<hbm>>) target(%arg9 : memref<128x128xf32, #tpu.memory_space<vmem>>) offsets(%dma_start3A_200 : memref<128xi32, #tpu.memory_space<vmem>>) semaphore(%arg16 : memref<!tpu.dma_semaphore, #tpu.memory_space<semaphore_mem>>)
    %scan3A = arith.constant 0 : i32
    %scan3A_204 = arith.constant 0 : i32
    %scan3A_205 = arith.constant 19 : i32
    %scan3A_206 = arith.addi %scan3A_204, %scan3A_205 : i32
    %scan3A_207 = arith.constant 1 : i32
    scf.for %scan3A_239 = %scan3A_204 to %scan3A_206 step %scan3A_207  : i32 {
      %mul3A_240 = arith.constant 4 : i32
      %mul3A_241 = arith.muli %scan3A_239, %mul3A_240 : i32
      %add3A_242 = arith.constant 0 : i32
      %add3A_243 = arith.addi %mul3A_241, %add3A_242 : i32
      %dma_wait3A_244 = arith.constant 1 : i32
      %dma_wait3A_245 = arith.constant 0 : i32
      %dma_wait3A_246 = tpu.memref_slice %arg7[%dma_wait3A_244, %dma_wait3A_245] : memref<8x128xi32, #tpu.memory_space<vmem>> -> memref<1x128xi32, #tpu.memory_space<vmem>>
      %dma_wait3A_247 = tpu.memref_squeeze %dma_wait3A_246 : memref<1x128xi32, #tpu.memory_space<vmem>> -> memref<128xi32, #tpu.memory_space<vmem>>
      %dma_wait3A_248 = arith.constant 0 : i32
      %dma_wait3A_249 = arith.constant 0 : i32
      %dma_wait3A_250 = tpu.memref_slice %arg2[%dma_wait3A_248, %dma_wait3A_249] : memref<10000x128xf32, #tpu.memory_space<hbm>> -> memref<10000x128xf32, #tpu.memory_space<hbm>>
      tpu.wait_indirect_dma semaphore(%arg15 : memref<!tpu.dma_semaphore, #tpu.memory_space<semaphore_mem>>) src(%dma_wait3A_250 : memref<10000x128xf32, #tpu.memory_space<hbm>>) dst(%arg8 : memref<128x128xf32, #tpu.memory_space<vmem>>)
      %run_scoped3A_251 = arith.constant 0 : i32
      "tpu.region"() ({
        %run_scoped3A_460 = tpu.sem_alloc : memref<!tpu.dma_semaphore, #tpu.memory_space<semaphore_mem>>
        %dma_start3A_461 = arith.constant 0 : i32
        %dma_start3A_462 = tpu.memref_slice %arg7[%run_scoped3A_251, %dma_start3A_461] : memref<8x128xi32, #tpu.memory_space<vmem>> -> memref<1x128xi32, #tpu.memory_space<vmem>>
        %dma_start3A_463 = tpu.memref_squeeze %dma_start3A_462 : memref<1x128xi32, #tpu.memory_space<vmem>> -> memref<128xi32, #tpu.memory_space<vmem>>
        %dma_start3A_464 = arith.constant 0 : i32
        %dma_start3A_465 = arith.constant 0 : i32
        %dma_start3A_466 = tpu.memref_slice %arg10[%dma_start3A_464, %dma_start3A_465] : memref<10000x128xf32, #tpu.memory_space<vmem_shared>> -> memref<10000x128xf32, #tpu.memory_space<vmem_shared>>
        tpu.enqueue_indirect_dma source(%arg8 : memref<128x128xf32, #tpu.memory_space<vmem>>) target(%dma_start3A_466 : memref<10000x128xf32, #tpu.memory_space<vmem_shared>>) offsets(%dma_start3A_463 : memref<128xi32, #tpu.memory_space<vmem>>) semaphore(%run_scoped3A_460 : memref<!tpu.dma_semaphore, #tpu.memory_space<semaphore_mem>>) {add = true}
        %dma_wait3A_467 = arith.constant 0 : i32
        %dma_wait3A_468 = tpu.memref_slice %arg7[%run_scoped3A_251, %dma_wait3A_467] : memref<8x128xi32, #tpu.memory_space<vmem>> -> memref<1x128xi32, #tpu.memory_space<vmem>>
        %dma_wait3A_469 = tpu.memref_squeeze %dma_wait3A_468 : memref<1x128xi32, #tpu.memory_space<vmem>> -> memref<128xi32, #tpu.memory_space<vmem>>
        %dma_wait3A_470 = arith.constant 0 : i32
        %dma_wait3A_471 = arith.constant 0 : i32
        %dma_wait3A_472 = tpu.memref_slice %arg10[%dma_wait3A_470, %dma_wait3A_471] : memref<10000x128xf32, #tpu.memory_space<vmem_shared>> -> memref<10000x128xf32, #tpu.memory_space<vmem_shared>>
        tpu.wait_indirect_dma semaphore(%run_scoped3A_460 : memref<!tpu.dma_semaphore, #tpu.memory_space<semaphore_mem>>) src(%arg8 : memref<128x128xf32, #tpu.memory_space<vmem>>) dst(%dma_wait3A_472 : memref<10000x128xf32, #tpu.memory_space<vmem_shared>>)
        tpu.yield
      }) : () -> ()
      %add3A_252 = arith.constant 2 : i32
      %add3A_253 = arith.addi %add3A_243, %add3A_252 : i32
      %add3A_254 = arith.addi %add3A_4, %add3A_253 : i32
      %dma_wait3A_255 = arith.constant 4 : i32
      %dma_wait3A_256 = arith.constant 0 : i32
      %dma_wait3A_257 = tpu.memref_slice %arg7[%dma_wait3A_255, %dma_wait3A_256] : memref<8x128xi32, #tpu.memory_space<vmem>> -> memref<1x128xi32, #tpu.memory_space<vmem>>
      %dma_wait3A_258 = tpu.memref_squeeze %dma_wait3A_257 : memref<1x128xi32, #tpu.memory_space<vmem>> -> memref<128xi32, #tpu.memory_space<vmem>>
      %dma_wait3A_259 = arith.constant 0 : i32
      %dma_wait3A_260 = tpu.memref_slice %arg3[%add3A_254, %dma_wait3A_259] : memref<2500x128xi32, #tpu.memory_space<hbm>> -> memref<1x128xi32, #tpu.memory_space<hbm>>
      %dma_wait3A_261 = tpu.memref_squeeze %dma_wait3A_260 : memref<1x128xi32, #tpu.memory_space<hbm>> -> memref<128xi32, #tpu.memory_space<hbm>>
      %dma_wait3A_262 = arith.constant 0 : i32
      %dma_wait3A_263 = tpu.memref_slice %arg7[%dma_wait3A_255, %dma_wait3A_262] : memref<8x128xi32, #tpu.memory_space<vmem>> -> memref<1x128xi32, #tpu.memory_space<vmem>>
      %dma_wait3A_264 = tpu.memref_squeeze %dma_wait3A_263 : memref<1x128xi32, #tpu.memory_space<vmem>> -> memref<128xi32, #tpu.memory_space<vmem>>
      %dma_wait3A_265 = arith.constant 0 : i32
      %dma_wait3A_266 = tpu.memref_slice %arg3[%add3A_254, %dma_wait3A_265] : memref<2500x128xi32, #tpu.memory_space<hbm>> -> memref<1x128xi32, #tpu.memory_space<hbm>>
      %dma_wait3A_267 = tpu.memref_squeeze %dma_wait3A_266 : memref<1x128xi32, #tpu.memory_space<hbm>> -> memref<128xi32, #tpu.memory_space<hbm>>
      tpu.wait_dma2 semaphore(%arg13 : memref<!tpu.dma_semaphore, #tpu.memory_space<semaphore_mem>>) src(%dma_wait3A_267 : memref<128xi32, #tpu.memory_space<hbm>>) dst(%dma_wait3A_264 : memref<128xi32, #tpu.memory_space<vmem>>)
      %add3A_268 = arith.addi %add3A_4, %add3A_253 : i32
      %dma_wait3A_269 = arith.constant 5 : i32
      %dma_wait3A_270 = arith.constant 0 : i32
      %dma_wait3A_271 = tpu.memref_slice %arg7[%dma_wait3A_269, %dma_wait3A_270] : memref<8x128xi32, #tpu.memory_space<vmem>> -> memref<1x128xi32, #tpu.memory_space<vmem>>
      %dma_wait3A_272 = tpu.memref_squeeze %dma_wait3A_271 : memref<1x128xi32, #tpu.memory_space<vmem>> -> memref<128xi32, #tpu.memory_space<vmem>>
      %dma_wait3A_273 = arith.constant 0 : i32
      %dma_wait3A_274 = tpu.memref_slice %arg4[%add3A_268, %dma_wait3A_273] : memref<2500x128xi32, #tpu.memory_space<hbm>> -> memref<1x128xi32, #tpu.memory_space<hbm>>
      %dma_wait3A_275 = tpu.memref_squeeze %dma_wait3A_274 : memref<1x128xi32, #tpu.memory_space<hbm>> -> memref<128xi32, #tpu.memory_space<hbm>>
      %dma_wait3A_276 = arith.constant 0 : i32
      %dma_wait3A_277 = tpu.memref_slice %arg7[%dma_wait3A_269, %dma_wait3A_276] : memref<8x128xi32, #tpu.memory_space<vmem>> -> memref<1x128xi32, #tpu.memory_space<vmem>>
      %dma_wait3A_278 = tpu.memref_squeeze %dma_wait3A_277 : memref<1x128xi32, #tpu.memory_space<vmem>> -> memref<128xi32, #tpu.memory_space<vmem>>
      %dma_wait3A_279 = arith.constant 0 : i32
      %dma_wait3A_280 = tpu.memref_slice %arg4[%add3A_268, %dma_wait3A_279] : memref<2500x128xi32, #tpu.memory_space<hbm>> -> memref<1x128xi32, #tpu.memory_space<hbm>>
      %dma_wait3A_281 = tpu.memref_squeeze %dma_wait3A_280 : memref<1x128xi32, #tpu.memory_space<hbm>> -> memref<128xi32, #tpu.memory_space<hbm>>
      tpu.wait_dma2 semaphore(%arg13 : memref<!tpu.dma_semaphore, #tpu.memory_space<semaphore_mem>>) src(%dma_wait3A_281 : memref<128xi32, #tpu.memory_space<hbm>>) dst(%dma_wait3A_278 : memref<128xi32, #tpu.memory_space<vmem>>)
      %dma_start3A_282 = arith.constant 5 : i32
      %dma_start3A_283 = arith.constant 0 : i32
      %dma_start3A_284 = tpu.memref_slice %arg7[%dma_start3A_282, %dma_start3A_283] : memref<8x128xi32, #tpu.memory_space<vmem>> -> memref<1x128xi32, #tpu.memory_space<vmem>>
      %dma_start3A_285 = tpu.memref_squeeze %dma_start3A_284 : memref<1x128xi32, #tpu.memory_space<vmem>> -> memref<128xi32, #tpu.memory_space<vmem>>
      %dma_start3A_286 = arith.constant 0 : i32
      %dma_start3A_287 = arith.constant 0 : i32
      %dma_start3A_288 = tpu.memref_slice %arg2[%dma_start3A_286, %dma_start3A_287] : memref<10000x128xf32, #tpu.memory_space<hbm>> -> memref<10000x128xf32, #tpu.memory_space<hbm>>
      tpu.enqueue_indirect_dma source(%dma_start3A_288 : memref<10000x128xf32, #tpu.memory_space<hbm>>) target(%arg8 : memref<128x128xf32, #tpu.memory_space<vmem>>) offsets(%dma_start3A_285 : memref<128xi32, #tpu.memory_space<vmem>>) semaphore(%arg15 : memref<!tpu.dma_semaphore, #tpu.memory_space<semaphore_mem>>)
      %add3A_289 = arith.constant 4 : i32
      %add3A_290 = arith.addi %add3A_243, %add3A_289 : i32
      %lt3A_291 = arith.cmpi slt, %add3A_290, %select_n3A : i32
      %convert_element_type3A_292 = arith.extui %lt3A_291 : i1 to i32
      %cond3A_293 = arith.constant 0 : i32
      %cond3A_294 = arith.cmpi ne, %convert_element_type3A_292, %cond3A_293 : i32
      scf.if %cond3A_294 {
        %add3A_460 = arith.constant 4 : i32
        %add3A_461 = arith.addi %add3A_243, %add3A_460 : i32
        %add3A_462 = arith.addi %add3A_4, %add3A_461 : i32
        %dma_start3A_463 = arith.constant 0 : i32
        %dma_start3A_464 = arith.constant 0 : i32
        %dma_start3A_465 = tpu.memref_slice %arg7[%dma_start3A_463, %dma_start3A_464] : memref<8x128xi32, #tpu.memory_space<vmem>> -> memref<1x128xi32, #tpu.memory_space<vmem>>
        %dma_start3A_466 = tpu.memref_squeeze %dma_start3A_465 : memref<1x128xi32, #tpu.memory_space<vmem>> -> memref<128xi32, #tpu.memory_space<vmem>>
        %dma_start3A_467 = arith.constant 0 : i32
        %dma_start3A_468 = tpu.memref_slice %arg3[%add3A_462, %dma_start3A_467] : memref<2500x128xi32, #tpu.memory_space<hbm>> -> memref<1x128xi32, #tpu.memory_space<hbm>>
        %dma_start3A_469 = tpu.memref_squeeze %dma_start3A_468 : memref<1x128xi32, #tpu.memory_space<hbm>> -> memref<128xi32, #tpu.memory_space<hbm>>
        %dma_start3A_470 = arith.constant 0 : i32
        %dma_start3A_471 = tpu.memref_slice %arg7[%dma_start3A_463, %dma_start3A_470] : memref<8x128xi32, #tpu.memory_space<vmem>> -> memref<1x128xi32, #tpu.memory_space<vmem>>
        %dma_start3A_472 = tpu.memref_squeeze %dma_start3A_471 : memref<1x128xi32, #tpu.memory_space<vmem>> -> memref<128xi32, #tpu.memory_space<vmem>>
        %dma_start3A_473 = arith.constant 0 : i32
        %dma_start3A_474 = tpu.memref_slice %arg3[%add3A_462, %dma_start3A_473] : memref<2500x128xi32, #tpu.memory_space<hbm>> -> memref<1x128xi32, #tpu.memory_space<hbm>>
        %dma_start3A_475 = tpu.memref_squeeze %dma_start3A_474 : memref<1x128xi32, #tpu.memory_space<hbm>> -> memref<128xi32, #tpu.memory_space<hbm>>
        tpu.enqueue_dma source(%dma_start3A_475 : memref<128xi32, #tpu.memory_space<hbm>>) target(%dma_start3A_472 : memref<128xi32, #tpu.memory_space<vmem>>) target_semaphore(%arg11 : memref<!tpu.dma_semaphore, #tpu.memory_space<semaphore_mem>>)
        %add3A_476 = arith.addi %add3A_4, %add3A_461 : i32
        %dma_start3A_477 = arith.constant 1 : i32
        %dma_start3A_478 = arith.constant 0 : i32
        %dma_start3A_479 = tpu.memref_slice %arg7[%dma_start3A_477, %dma_start3A_478] : memref<8x128xi32, #tpu.memory_space<vmem>> -> memref<1x128xi32, #tpu.memory_space<vmem>>
        %dma_start3A_480 = tpu.memref_squeeze %dma_start3A_479 : memref<1x128xi32, #tpu.memory_space<vmem>> -> memref<128xi32, #tpu.memory_space<vmem>>
        %dma_start3A_481 = arith.constant 0 : i32
        %dma_start3A_482 = tpu.memref_slice %arg4[%add3A_476, %dma_start3A_481] : memref<2500x128xi32, #tpu.memory_space<hbm>> -> memref<1x128xi32, #tpu.memory_space<hbm>>
        %dma_start3A_483 = tpu.memref_squeeze %dma_start3A_482 : memref<1x128xi32, #tpu.memory_space<hbm>> -> memref<128xi32, #tpu.memory_space<hbm>>
        %dma_start3A_484 = arith.constant 0 : i32
        %dma_start3A_485 = tpu.memref_slice %arg7[%dma_start3A_477, %dma_start3A_484] : memref<8x128xi32, #tpu.memory_space<vmem>> -> memref<1x128xi32, #tpu.memory_space<vmem>>
        %dma_start3A_486 = tpu.memref_squeeze %dma_start3A_485 : memref<1x128xi32, #tpu.memory_space<vmem>> -> memref<128xi32, #tpu.memory_space<vmem>>
        %dma_start3A_487 = arith.constant 0 : i32
        %dma_start3A_488 = tpu.memref_slice %arg4[%add3A_476, %dma_start3A_487] : memref<2500x128xi32, #tpu.memory_space<hbm>> -> memref<1x128xi32, #tpu.memory_space<hbm>>
        %dma_start3A_489 = tpu.memref_squeeze %dma_start3A_488 : memref<1x128xi32, #tpu.memory_space<hbm>> -> memref<128xi32, #tpu.memory_space<hbm>>
        tpu.enqueue_dma source(%dma_start3A_489 : memref<128xi32, #tpu.memory_space<hbm>>) target(%dma_start3A_486 : memref<128xi32, #tpu.memory_space<vmem>>) target_semaphore(%arg11 : memref<!tpu.dma_semaphore, #tpu.memory_space<semaphore_mem>>)
      } else {
      }
      %mul3A_295 = arith.constant 4 : i32
      %mul3A_296 = arith.muli %scan3A_239, %mul3A_295 : i32
      %add3A_297 = arith.constant 1 : i32
      %add3A_298 = arith.addi %mul3A_296, %add3A_297 : i32
      %dma_wait3A_299 = arith.constant 3 : i32
      %dma_wait3A_300 = arith.constant 0 : i32
      %dma_wait3A_301 = tpu.memref_slice %arg7[%dma_wait3A_299, %dma_wait3A_300] : memref<8x128xi32, #tpu.memory_space<vmem>> -> memref<1x128xi32, #tpu.memory_space<vmem>>
      %dma_wait3A_302 = tpu.memref_squeeze %dma_wait3A_301 : memref<1x128xi32, #tpu.memory_space<vmem>> -> memref<128xi32, #tpu.memory_space<vmem>>
      %dma_wait3A_303 = arith.constant 0 : i32
      %dma_wait3A_304 = arith.constant 0 : i32
      %dma_wait3A_305 = tpu.memref_slice %arg2[%dma_wait3A_303, %dma_wait3A_304] : memref<10000x128xf32, #tpu.memory_space<hbm>> -> memref<10000x128xf32, #tpu.memory_space<hbm>>
      tpu.wait_indirect_dma semaphore(%arg16 : memref<!tpu.dma_semaphore, #tpu.memory_space<semaphore_mem>>) src(%dma_wait3A_305 : memref<10000x128xf32, #tpu.memory_space<hbm>>) dst(%arg9 : memref<128x128xf32, #tpu.memory_space<vmem>>)
      %run_scoped3A_306 = arith.constant 2 : i32
      "tpu.region"() ({
        %run_scoped3A_460 = tpu.sem_alloc : memref<!tpu.dma_semaphore, #tpu.memory_space<semaphore_mem>>
        %dma_start3A_461 = arith.constant 0 : i32
        %dma_start3A_462 = tpu.memref_slice %arg7[%run_scoped3A_306, %dma_start3A_461] : memref<8x128xi32, #tpu.memory_space<vmem>> -> memref<1x128xi32, #tpu.memory_space<vmem>>
        %dma_start3A_463 = tpu.memref_squeeze %dma_start3A_462 : memref<1x128xi32, #tpu.memory_space<vmem>> -> memref<128xi32, #tpu.memory_space<vmem>>
        %dma_start3A_464 = arith.constant 0 : i32
        %dma_start3A_465 = arith.constant 0 : i32
        %dma_start3A_466 = tpu.memref_slice %arg10[%dma_start3A_464, %dma_start3A_465] : memref<10000x128xf32, #tpu.memory_space<vmem_shared>> -> memref<10000x128xf32, #tpu.memory_space<vmem_shared>>
        tpu.enqueue_indirect_dma source(%arg9 : memref<128x128xf32, #tpu.memory_space<vmem>>) target(%dma_start3A_466 : memref<10000x128xf32, #tpu.memory_space<vmem_shared>>) offsets(%dma_start3A_463 : memref<128xi32, #tpu.memory_space<vmem>>) semaphore(%run_scoped3A_460 : memref<!tpu.dma_semaphore, #tpu.memory_space<semaphore_mem>>) {add = true}
        %dma_wait3A_467 = arith.constant 0 : i32
        %dma_wait3A_468 = tpu.memref_slice %arg7[%run_scoped3A_306, %dma_wait3A_467] : memref<8x128xi32, #tpu.memory_space<vmem>> -> memref<1x128xi32, #tpu.memory_space<vmem>>
        %dma_wait3A_469 = tpu.memref_squeeze %dma_wait3A_468 : memref<1x128xi32, #tpu.memory_space<vmem>> -> memref<128xi32, #tpu.memory_space<vmem>>
        %dma_wait3A_470 = arith.constant 0 : i32
        %dma_wait3A_471 = arith.constant 0 : i32
        %dma_wait3A_472 = tpu.memref_slice %arg10[%dma_wait3A_470, %dma_wait3A_471] : memref<10000x128xf32, #tpu.memory_space<vmem_shared>> -> memref<10000x128xf32, #tpu.memory_space<vmem_shared>>
        tpu.wait_indirect_dma semaphore(%run_scoped3A_460 : memref<!tpu.dma_semaphore, #tpu.memory_space<semaphore_mem>>) src(%arg9 : memref<128x128xf32, #tpu.memory_space<vmem>>) dst(%dma_wait3A_472 : memref<10000x128xf32, #tpu.memory_space<vmem_shared>>)
        tpu.yield
      }) : () -> ()
      %add3A_307 = arith.constant 2 : i32
      %add3A_308 = arith.addi %add3A_298, %add3A_307 : i32
      %add3A_309 = arith.addi %add3A_4, %add3A_308 : i32
      %dma_wait3A_310 = arith.constant 6 : i32
      %dma_wait3A_311 = arith.constant 0 : i32
      %dma_wait3A_312 = tpu.memref_slice %arg7[%dma_wait3A_310, %dma_wait3A_311] : memref<8x128xi32, #tpu.memory_space<vmem>> -> memref<1x128xi32, #tpu.memory_space<vmem>>
      %dma_wait3A_313 = tpu.memref_squeeze %dma_wait3A_312 : memref<1x128xi32, #tpu.memory_space<vmem>> -> memref<128xi32, #tpu.memory_space<vmem>>
      %dma_wait3A_314 = arith.constant 0 : i32
      %dma_wait3A_315 = tpu.memref_slice %arg3[%add3A_309, %dma_wait3A_314] : memref<2500x128xi32, #tpu.memory_space<hbm>> -> memref<1x128xi32, #tpu.memory_space<hbm>>
      %dma_wait3A_316 = tpu.memref_squeeze %dma_wait3A_315 : memref<1x128xi32, #tpu.memory_space<hbm>> -> memref<128xi32, #tpu.memory_space<hbm>>
      %dma_wait3A_317 = arith.constant 0 : i32
      %dma_wait3A_318 = tpu.memref_slice %arg7[%dma_wait3A_310, %dma_wait3A_317] : memref<8x128xi32, #tpu.memory_space<vmem>> -> memref<1x128xi32, #tpu.memory_space<vmem>>
      %dma_wait3A_319 = tpu.memref_squeeze %dma_wait3A_318 : memref<1x128xi32, #tpu.memory_space<vmem>> -> memref<128xi32, #tpu.memory_space<vmem>>
      %dma_wait3A_320 = arith.constant 0 : i32
      %dma_wait3A_321 = tpu.memref_slice %arg3[%add3A_309, %dma_wait3A_320] : memref<2500x128xi32, #tpu.memory_space<hbm>> -> memref<1x128xi32, #tpu.memory_space<hbm>>
      %dma_wait3A_322 = tpu.memref_squeeze %dma_wait3A_321 : memref<1x128xi32, #tpu.memory_space<hbm>> -> memref<128xi32, #tpu.memory_space<hbm>>
      tpu.wait_dma2 semaphore(%arg14 : memref<!tpu.dma_semaphore, #tpu.memory_space<semaphore_mem>>) src(%dma_wait3A_322 : memref<128xi32, #tpu.memory_space<hbm>>) dst(%dma_wait3A_319 : memref<128xi32, #tpu.memory_space<vmem>>)
      %add3A_323 = arith.addi %add3A_4, %add3A_308 : i32
      %dma_wait3A_324 = arith.constant 7 : i32
      %dma_wait3A_325 = arith.constant 0 : i32
      %dma_wait3A_326 = tpu.memref_slice %arg7[%dma_wait3A_324, %dma_wait3A_325] : memref<8x128xi32, #tpu.memory_space<vmem>> -> memref<1x128xi32, #tpu.memory_space<vmem>>
      %dma_wait3A_327 = tpu.memref_squeeze %dma_wait3A_326 : memref<1x128xi32, #tpu.memory_space<vmem>> -> memref<128xi32, #tpu.memory_space<vmem>>
      %dma_wait3A_328 = arith.constant 0 : i32
      %dma_wait3A_329 = tpu.memref_slice %arg4[%add3A_323, %dma_wait3A_328] : memref<2500x128xi32, #tpu.memory_space<hbm>> -> memref<1x128xi32, #tpu.memory_space<hbm>>
      %dma_wait3A_330 = tpu.memref_squeeze %dma_wait3A_329 : memref<1x128xi32, #tpu.memory_space<hbm>> -> memref<128xi32, #tpu.memory_space<hbm>>
      %dma_wait3A_331 = arith.constant 0 : i32
      %dma_wait3A_332 = tpu.memref_slice %arg7[%dma_wait3A_324, %dma_wait3A_331] : memref<8x128xi32, #tpu.memory_space<vmem>> -> memref<1x128xi32, #tpu.memory_space<vmem>>
      %dma_wait3A_333 = tpu.memref_squeeze %dma_wait3A_332 : memref<1x128xi32, #tpu.memory_space<vmem>> -> memref<128xi32, #tpu.memory_space<vmem>>
      %dma_wait3A_334 = arith.constant 0 : i32
      %dma_wait3A_335 = tpu.memref_slice %arg4[%add3A_323, %dma_wait3A_334] : memref<2500x128xi32, #tpu.memory_space<hbm>> -> memref<1x128xi32, #tpu.memory_space<hbm>>
      %dma_wait3A_336 = tpu.memref_squeeze %dma_wait3A_335 : memref<1x128xi32, #tpu.memory_space<hbm>> -> memref<128xi32, #tpu.memory_space<hbm>>
      tpu.wait_dma2 semaphore(%arg14 : memref<!tpu.dma_semaphore, #tpu.memory_space<semaphore_mem>>) src(%dma_wait3A_336 : memref<128xi32, #tpu.memory_space<hbm>>) dst(%dma_wait3A_333 : memref<128xi32, #tpu.memory_space<vmem>>)
      %dma_start3A_337 = arith.constant 7 : i32
      %dma_start3A_338 = arith.constant 0 : i32
      %dma_start3A_339 = tpu.memref_slice %arg7[%dma_start3A_337, %dma_start3A_338] : memref<8x128xi32, #tpu.memory_space<vmem>> -> memref<1x128xi32, #tpu.memory_space<vmem>>
      %dma_start3A_340 = tpu.memref_squeeze %dma_start3A_339 : memref<1x128xi32, #tpu.memory_space<vmem>> -> memref<128xi32, #tpu.memory_space<vmem>>
      %dma_start3A_341 = arith.constant 0 : i32
      %dma_start3A_342 = arith.constant 0 : i32
      %dma_start3A_343 = tpu.memref_slice %arg2[%dma_start3A_341, %dma_start3A_342] : memref<10000x128xf32, #tpu.memory_space<hbm>> -> memref<10000x128xf32, #tpu.memory_space<hbm>>
      tpu.enqueue_indirect_dma source(%dma_start3A_343 : memref<10000x128xf32, #tpu.memory_space<hbm>>) target(%arg9 : memref<128x128xf32, #tpu.memory_space<vmem>>) offsets(%dma_start3A_340 : memref<128xi32, #tpu.memory_space<vmem>>) semaphore(%arg16 : memref<!tpu.dma_semaphore, #tpu.memory_space<semaphore_mem>>)
      %add3A_344 = arith.constant 4 : i32
      %add3A_345 = arith.addi %add3A_298, %add3A_344 : i32
      %lt3A_346 = arith.cmpi slt, %add3A_345, %select_n3A : i32
      %convert_element_type3A_347 = arith.extui %lt3A_346 : i1 to i32
      %cond3A_348 = arith.constant 0 : i32
      %cond3A_349 = arith.cmpi ne, %convert_element_type3A_347, %cond3A_348 : i32
      scf.if %cond3A_349 {
        %add3A_460 = arith.constant 4 : i32
        %add3A_461 = arith.addi %add3A_298, %add3A_460 : i32
        %add3A_462 = arith.addi %add3A_4, %add3A_461 : i32
        %dma_start3A_463 = arith.constant 2 : i32
        %dma_start3A_464 = arith.constant 0 : i32
        %dma_start3A_465 = tpu.memref_slice %arg7[%dma_start3A_463, %dma_start3A_464] : memref<8x128xi32, #tpu.memory_space<vmem>> -> memref<1x128xi32, #tpu.memory_space<vmem>>
        %dma_start3A_466 = tpu.memref_squeeze %dma_start3A_465 : memref<1x128xi32, #tpu.memory_space<vmem>> -> memref<128xi32, #tpu.memory_space<vmem>>
        %dma_start3A_467 = arith.constant 0 : i32
        %dma_start3A_468 = tpu.memref_slice %arg3[%add3A_462, %dma_start3A_467] : memref<2500x128xi32, #tpu.memory_space<hbm>> -> memref<1x128xi32, #tpu.memory_space<hbm>>
        %dma_start3A_469 = tpu.memref_squeeze %dma_start3A_468 : memref<1x128xi32, #tpu.memory_space<hbm>> -> memref<128xi32, #tpu.memory_space<hbm>>
        %dma_start3A_470 = arith.constant 0 : i32
        %dma_start3A_471 = tpu.memref_slice %arg7[%dma_start3A_463, %dma_start3A_470] : memref<8x128xi32, #tpu.memory_space<vmem>> -> memref<1x128xi32, #tpu.memory_space<vmem>>
        %dma_start3A_472 = tpu.memref_squeeze %dma_start3A_471 : memref<1x128xi32, #tpu.memory_space<vmem>> -> memref<128xi32, #tpu.memory_space<vmem>>
        %dma_start3A_473 = arith.constant 0 : i32
        %dma_start3A_474 = tpu.memref_slice %arg3[%add3A_462, %dma_start3A_473] : memref<2500x128xi32, #tpu.memory_space<hbm>> -> memref<1x128xi32, #tpu.memory_space<hbm>>
        %dma_start3A_475 = tpu.memref_squeeze %dma_start3A_474 : memref<1x128xi32, #tpu.memory_space<hbm>> -> memref<128xi32, #tpu.memory_space<hbm>>
        tpu.enqueue_dma source(%dma_start3A_475 : memref<128xi32, #tpu.memory_space<hbm>>) target(%dma_start3A_472 : memref<128xi32, #tpu.memory_space<vmem>>) target_semaphore(%arg12 : memref<!tpu.dma_semaphore, #tpu.memory_space<semaphore_mem>>)
        %add3A_476 = arith.addi %add3A_4, %add3A_461 : i32
        %dma_start3A_477 = arith.constant 3 : i32
        %dma_start3A_478 = arith.constant 0 : i32
        %dma_start3A_479 = tpu.memref_slice %arg7[%dma_start3A_477, %dma_start3A_478] : memref<8x128xi32, #tpu.memory_space<vmem>> -> memref<1x128xi32, #tpu.memory_space<vmem>>
        %dma_start3A_480 = tpu.memref_squeeze %dma_start3A_479 : memref<1x128xi32, #tpu.memory_space<vmem>> -> memref<128xi32, #tpu.memory_space<vmem>>
        %dma_start3A_481 = arith.constant 0 : i32
        %dma_start3A_482 = tpu.memref_slice %arg4[%add3A_476, %dma_start3A_481] : memref<2500x128xi32, #tpu.memory_space<hbm>> -> memref<1x128xi32, #tpu.memory_space<hbm>>
        %dma_start3A_483 = tpu.memref_squeeze %dma_start3A_482 : memref<1x128xi32, #tpu.memory_space<hbm>> -> memref<128xi32, #tpu.memory_space<hbm>>
        %dma_start3A_484 = arith.constant 0 : i32
        %dma_start3A_485 = tpu.memref_slice %arg7[%dma_start3A_477, %dma_start3A_484] : memref<8x128xi32, #tpu.memory_space<vmem>> -> memref<1x128xi32, #tpu.memory_space<vmem>>
        %dma_start3A_486 = tpu.memref_squeeze %dma_start3A_485 : memref<1x128xi32, #tpu.memory_space<vmem>> -> memref<128xi32, #tpu.memory_space<vmem>>
        %dma_start3A_487 = arith.constant 0 : i32
        %dma_start3A_488 = tpu.memref_slice %arg4[%add3A_476, %dma_start3A_487] : memref<2500x128xi32, #tpu.memory_space<hbm>> -> memref<1x128xi32, #tpu.memory_space<hbm>>
        %dma_start3A_489 = tpu.memref_squeeze %dma_start3A_488 : memref<1x128xi32, #tpu.memory_space<hbm>> -> memref<128xi32, #tpu.memory_space<hbm>>
        tpu.enqueue_dma source(%dma_start3A_489 : memref<128xi32, #tpu.memory_space<hbm>>) target(%dma_start3A_486 : memref<128xi32, #tpu.memory_space<vmem>>) target_semaphore(%arg12 : memref<!tpu.dma_semaphore, #tpu.memory_space<semaphore_mem>>)
      } else {
      }
      %mul3A_350 = arith.constant 4 : i32
      %mul3A_351 = arith.muli %scan3A_239, %mul3A_350 : i32
      %add3A_352 = arith.constant 2 : i32
      %add3A_353 = arith.addi %mul3A_351, %add3A_352 : i32
      %dma_wait3A_354 = arith.constant 5 : i32
      %dma_wait3A_355 = arith.constant 0 : i32
      %dma_wait3A_356 = tpu.memref_slice %arg7[%dma_wait3A_354, %dma_wait3A_355] : memref<8x128xi32, #tpu.memory_space<vmem>> -> memref<1x128xi32, #tpu.memory_space<vmem>>
      %dma_wait3A_357 = tpu.memref_squeeze %dma_wait3A_356 : memref<1x128xi32, #tpu.memory_space<vmem>> -> memref<128xi32, #tpu.memory_space<vmem>>
      %dma_wait3A_358 = arith.constant 0 : i32
      %dma_wait3A_359 = arith.constant 0 : i32
      %dma_wait3A_360 = tpu.memref_slice %arg2[%dma_wait3A_358, %dma_wait3A_359] : memref<10000x128xf32, #tpu.memory_space<hbm>> -> memref<10000x128xf32, #tpu.memory_space<hbm>>
      tpu.wait_indirect_dma semaphore(%arg15 : memref<!tpu.dma_semaphore, #tpu.memory_space<semaphore_mem>>) src(%dma_wait3A_360 : memref<10000x128xf32, #tpu.memory_space<hbm>>) dst(%arg8 : memref<128x128xf32, #tpu.memory_space<vmem>>)
      %run_scoped3A_361 = arith.constant 4 : i32
      "tpu.region"() ({
        %run_scoped3A_460 = tpu.sem_alloc : memref<!tpu.dma_semaphore, #tpu.memory_space<semaphore_mem>>
        %dma_start3A_461 = arith.constant 0 : i32
        %dma_start3A_462 = tpu.memref_slice %arg7[%run_scoped3A_361, %dma_start3A_461] : memref<8x128xi32, #tpu.memory_space<vmem>> -> memref<1x128xi32, #tpu.memory_space<vmem>>
        %dma_start3A_463 = tpu.memref_squeeze %dma_start3A_462 : memref<1x128xi32, #tpu.memory_space<vmem>> -> memref<128xi32, #tpu.memory_space<vmem>>
        %dma_start3A_464 = arith.constant 0 : i32
        %dma_start3A_465 = arith.constant 0 : i32
        %dma_start3A_466 = tpu.memref_slice %arg10[%dma_start3A_464, %dma_start3A_465] : memref<10000x128xf32, #tpu.memory_space<vmem_shared>> -> memref<10000x128xf32, #tpu.memory_space<vmem_shared>>
        tpu.enqueue_indirect_dma source(%arg8 : memref<128x128xf32, #tpu.memory_space<vmem>>) target(%dma_start3A_466 : memref<10000x128xf32, #tpu.memory_space<vmem_shared>>) offsets(%dma_start3A_463 : memref<128xi32, #tpu.memory_space<vmem>>) semaphore(%run_scoped3A_460 : memref<!tpu.dma_semaphore, #tpu.memory_space<semaphore_mem>>) {add = true}
        %dma_wait3A_467 = arith.constant 0 : i32
        %dma_wait3A_468 = tpu.memref_slice %arg7[%run_scoped3A_361, %dma_wait3A_467] : memref<8x128xi32, #tpu.memory_space<vmem>> -> memref<1x128xi32, #tpu.memory_space<vmem>>
        %dma_wait3A_469 = tpu.memref_squeeze %dma_wait3A_468 : memref<1x128xi32, #tpu.memory_space<vmem>> -> memref<128xi32, #tpu.memory_space<vmem>>
        %dma_wait3A_470 = arith.constant 0 : i32
        %dma_wait3A_471 = arith.constant 0 : i32
        %dma_wait3A_472 = tpu.memref_slice %arg10[%dma_wait3A_470, %dma_wait3A_471] : memref<10000x128xf32, #tpu.memory_space<vmem_shared>> -> memref<10000x128xf32, #tpu.memory_space<vmem_shared>>
        tpu.wait_indirect_dma semaphore(%run_scoped3A_460 : memref<!tpu.dma_semaphore, #tpu.memory_space<semaphore_mem>>) src(%arg8 : memref<128x128xf32, #tpu.memory_space<vmem>>) dst(%dma_wait3A_472 : memref<10000x128xf32, #tpu.memory_space<vmem_shared>>)
        tpu.yield
      }) : () -> ()
      %add3A_362 = arith.constant 2 : i32
      %add3A_363 = arith.addi %add3A_353, %add3A_362 : i32
      %add3A_364 = arith.addi %add3A_4, %add3A_363 : i32
      %dma_wait3A_365 = arith.constant 0 : i32
      %dma_wait3A_366 = arith.constant 0 : i32
      %dma_wait3A_367 = tpu.memref_slice %arg7[%dma_wait3A_365, %dma_wait3A_366] : memref<8x128xi32, #tpu.memory_space<vmem>> -> memref<1x128xi32, #tpu.memory_space<vmem>>
      %dma_wait3A_368 = tpu.memref_squeeze %dma_wait3A_367 : memref<1x128xi32, #tpu.memory_space<vmem>> -> memref<128xi32, #tpu.memory_space<vmem>>
      %dma_wait3A_369 = arith.constant 0 : i32
      %dma_wait3A_370 = tpu.memref_slice %arg3[%add3A_364, %dma_wait3A_369] : memref<2500x128xi32, #tpu.memory_space<hbm>> -> memref<1x128xi32, #tpu.memory_space<hbm>>
      %dma_wait3A_371 = tpu.memref_squeeze %dma_wait3A_370 : memref<1x128xi32, #tpu.memory_space<hbm>> -> memref<128xi32, #tpu.memory_space<hbm>>
      %dma_wait3A_372 = arith.constant 0 : i32
      %dma_wait3A_373 = tpu.memref_slice %arg7[%dma_wait3A_365, %dma_wait3A_372] : memref<8x128xi32, #tpu.memory_space<vmem>> -> memref<1x128xi32, #tpu.memory_space<vmem>>
      %dma_wait3A_374 = tpu.memref_squeeze %dma_wait3A_373 : memref<1x128xi32, #tpu.memory_space<vmem>> -> memref<128xi32, #tpu.memory_space<vmem>>
      %dma_wait3A_375 = arith.constant 0 : i32
      %dma_wait3A_376 = tpu.memref_slice %arg3[%add3A_364, %dma_wait3A_375] : memref<2500x128xi32, #tpu.memory_space<hbm>> -> memref<1x128xi32, #tpu.memory_space<hbm>>
      %dma_wait3A_377 = tpu.memref_squeeze %dma_wait3A_376 : memref<1x128xi32, #tpu.memory_space<hbm>> -> memref<128xi32, #tpu.memory_space<hbm>>
      tpu.wait_dma2 semaphore(%arg11 : memref<!tpu.dma_semaphore, #tpu.memory_space<semaphore_mem>>) src(%dma_wait3A_377 : memref<128xi32, #tpu.memory_space<hbm>>) dst(%dma_wait3A_374 : memref<128xi32, #tpu.memory_space<vmem>>)
      %add3A_378 = arith.addi %add3A_4, %add3A_363 : i32
      %dma_wait3A_379 = arith.constant 1 : i32
      %dma_wait3A_380 = arith.constant 0 : i32
      %dma_wait3A_381 = tpu.memref_slice %arg7[%dma_wait3A_379, %dma_wait3A_380] : memref<8x128xi32, #tpu.memory_space<vmem>> -> memref<1x128xi32, #tpu.memory_space<vmem>>
      %dma_wait3A_382 = tpu.memref_squeeze %dma_wait3A_381 : memref<1x128xi32, #tpu.memory_space<vmem>> -> memref<128xi32, #tpu.memory_space<vmem>>
      %dma_wait3A_383 = arith.constant 0 : i32
      %dma_wait3A_384 = tpu.memref_slice %arg4[%add3A_378, %dma_wait3A_383] : memref<2500x128xi32, #tpu.memory_space<hbm>> -> memref<1x128xi32, #tpu.memory_space<hbm>>
      %dma_wait3A_385 = tpu.memref_squeeze %dma_wait3A_384 : memref<1x128xi32, #tpu.memory_space<hbm>> -> memref<128xi32, #tpu.memory_space<hbm>>
      %dma_wait3A_386 = arith.constant 0 : i32
      %dma_wait3A_387 = tpu.memref_slice %arg7[%dma_wait3A_379, %dma_wait3A_386] : memref<8x128xi32, #tpu.memory_space<vmem>> -> memref<1x128xi32, #tpu.memory_space<vmem>>
      %dma_wait3A_388 = tpu.memref_squeeze %dma_wait3A_387 : memref<1x128xi32, #tpu.memory_space<vmem>> -> memref<128xi32, #tpu.memory_space<vmem>>
      %dma_wait3A_389 = arith.constant 0 : i32
      %dma_wait3A_390 = tpu.memref_slice %arg4[%add3A_378, %dma_wait3A_389] : memref<2500x128xi32, #tpu.memory_space<hbm>> -> memref<1x128xi32, #tpu.memory_space<hbm>>
      %dma_wait3A_391 = tpu.memref_squeeze %dma_wait3A_390 : memref<1x128xi32, #tpu.memory_space<hbm>> -> memref<128xi32, #tpu.memory_space<hbm>>
      tpu.wait_dma2 semaphore(%arg11 : memref<!tpu.dma_semaphore, #tpu.memory_space<semaphore_mem>>) src(%dma_wait3A_391 : memref<128xi32, #tpu.memory_space<hbm>>) dst(%dma_wait3A_388 : memref<128xi32, #tpu.memory_space<vmem>>)
      %dma_start3A_392 = arith.constant 1 : i32
      %dma_start3A_393 = arith.constant 0 : i32
      %dma_start3A_394 = tpu.memref_slice %arg7[%dma_start3A_392, %dma_start3A_393] : memref<8x128xi32, #tpu.memory_space<vmem>> -> memref<1x128xi32, #tpu.memory_space<vmem>>
      %dma_start3A_395 = tpu.memref_squeeze %dma_start3A_394 : memref<1x128xi32, #tpu.memory_space<vmem>> -> memref<128xi32, #tpu.memory_space<vmem>>
      %dma_start3A_396 = arith.constant 0 : i32
      %dma_start3A_397 = arith.constant 0 : i32
      %dma_start3A_398 = tpu.memref_slice %arg2[%dma_start3A_396, %dma_start3A_397] : memref<10000x128xf32, #tpu.memory_space<hbm>> -> memref<10000x128xf32, #tpu.memory_space<hbm>>
      tpu.enqueue_indirect_dma source(%dma_start3A_398 : memref<10000x128xf32, #tpu.memory_space<hbm>>) target(%arg8 : memref<128x128xf32, #tpu.memory_space<vmem>>) offsets(%dma_start3A_395 : memref<128xi32, #tpu.memory_space<vmem>>) semaphore(%arg15 : memref<!tpu.dma_semaphore, #tpu.memory_space<semaphore_mem>>)
      %add3A_399 = arith.constant 4 : i32
      %add3A_400 = arith.addi %add3A_353, %add3A_399 : i32
      %lt3A_401 = arith.cmpi slt, %add3A_400, %select_n3A : i32
      %convert_element_type3A_402 = arith.extui %lt3A_401 : i1 to i32
      %cond3A_403 = arith.constant 0 : i32
      %cond3A_404 = arith.cmpi ne, %convert_element_type3A_402, %cond3A_403 : i32
      scf.if %cond3A_404 {
        %add3A_460 = arith.constant 4 : i32
        %add3A_461 = arith.addi %add3A_353, %add3A_460 : i32
        %add3A_462 = arith.addi %add3A_4, %add3A_461 : i32
        %dma_start3A_463 = arith.constant 4 : i32
        %dma_start3A_464 = arith.constant 0 : i32
        %dma_start3A_465 = tpu.memref_slice %arg7[%dma_start3A_463, %dma_start3A_464] : memref<8x128xi32, #tpu.memory_space<vmem>> -> memref<1x128xi32, #tpu.memory_space<vmem>>
        %dma_start3A_466 = tpu.memref_squeeze %dma_start3A_465 : memref<1x128xi32, #tpu.memory_space<vmem>> -> memref<128xi32, #tpu.memory_space<vmem>>
        %dma_start3A_467 = arith.constant 0 : i32
        %dma_start3A_468 = tpu.memref_slice %arg3[%add3A_462, %dma_start3A_467] : memref<2500x128xi32, #tpu.memory_space<hbm>> -> memref<1x128xi32, #tpu.memory_space<hbm>>
        %dma_start3A_469 = tpu.memref_squeeze %dma_start3A_468 : memref<1x128xi32, #tpu.memory_space<hbm>> -> memref<128xi32, #tpu.memory_space<hbm>>
        %dma_start3A_470 = arith.constant 0 : i32
        %dma_start3A_471 = tpu.memref_slice %arg7[%dma_start3A_463, %dma_start3A_470] : memref<8x128xi32, #tpu.memory_space<vmem>> -> memref<1x128xi32, #tpu.memory_space<vmem>>
        %dma_start3A_472 = tpu.memref_squeeze %dma_start3A_471 : memref<1x128xi32, #tpu.memory_space<vmem>> -> memref<128xi32, #tpu.memory_space<vmem>>
        %dma_start3A_473 = arith.constant 0 : i32
        %dma_start3A_474 = tpu.memref_slice %arg3[%add3A_462, %dma_start3A_473] : memref<2500x128xi32, #tpu.memory_space<hbm>> -> memref<1x128xi32, #tpu.memory_space<hbm>>
        %dma_start3A_475 = tpu.memref_squeeze %dma_start3A_474 : memref<1x128xi32, #tpu.memory_space<hbm>> -> memref<128xi32, #tpu.memory_space<hbm>>
        tpu.enqueue_dma source(%dma_start3A_475 : memref<128xi32, #tpu.memory_space<hbm>>) target(%dma_start3A_472 : memref<128xi32, #tpu.memory_space<vmem>>) target_semaphore(%arg13 : memref<!tpu.dma_semaphore, #tpu.memory_space<semaphore_mem>>)
        %add3A_476 = arith.addi %add3A_4, %add3A_461 : i32
        %dma_start3A_477 = arith.constant 5 : i32
        %dma_start3A_478 = arith.constant 0 : i32
        %dma_start3A_479 = tpu.memref_slice %arg7[%dma_start3A_477, %dma_start3A_478] : memref<8x128xi32, #tpu.memory_space<vmem>> -> memref<1x128xi32, #tpu.memory_space<vmem>>
        %dma_start3A_480 = tpu.memref_squeeze %dma_start3A_479 : memref<1x128xi32, #tpu.memory_space<vmem>> -> memref<128xi32, #tpu.memory_space<vmem>>
        %dma_start3A_481 = arith.constant 0 : i32
        %dma_start3A_482 = tpu.memref_slice %arg4[%add3A_476, %dma_start3A_481] : memref<2500x128xi32, #tpu.memory_space<hbm>> -> memref<1x128xi32, #tpu.memory_space<hbm>>
        %dma_start3A_483 = tpu.memref_squeeze %dma_start3A_482 : memref<1x128xi32, #tpu.memory_space<hbm>> -> memref<128xi32, #tpu.memory_space<hbm>>
        %dma_start3A_484 = arith.constant 0 : i32
        %dma_start3A_485 = tpu.memref_slice %arg7[%dma_start3A_477, %dma_start3A_484] : memref<8x128xi32, #tpu.memory_space<vmem>> -> memref<1x128xi32, #tpu.memory_space<vmem>>
        %dma_start3A_486 = tpu.memref_squeeze %dma_start3A_485 : memref<1x128xi32, #tpu.memory_space<vmem>> -> memref<128xi32, #tpu.memory_space<vmem>>
        %dma_start3A_487 = arith.constant 0 : i32
        %dma_start3A_488 = tpu.memref_slice %arg4[%add3A_476, %dma_start3A_487] : memref<2500x128xi32, #tpu.memory_space<hbm>> -> memref<1x128xi32, #tpu.memory_space<hbm>>
        %dma_start3A_489 = tpu.memref_squeeze %dma_start3A_488 : memref<1x128xi32, #tpu.memory_space<hbm>> -> memref<128xi32, #tpu.memory_space<hbm>>
        tpu.enqueue_dma source(%dma_start3A_489 : memref<128xi32, #tpu.memory_space<hbm>>) target(%dma_start3A_486 : memref<128xi32, #tpu.memory_space<vmem>>) target_semaphore(%arg13 : memref<!tpu.dma_semaphore, #tpu.memory_space<semaphore_mem>>)
      } else {
      }
      %mul3A_405 = arith.constant 4 : i32
      %mul3A_406 = arith.muli %scan3A_239, %mul3A_405 : i32
      %add3A_407 = arith.constant 3 : i32
      %add3A_408 = arith.addi %mul3A_406, %add3A_407 : i32
      %dma_wait3A_409 = arith.constant 7 : i32
      %dma_wait3A_410 = arith.constant 0 : i32
      %dma_wait3A_411 = tpu.memref_slice %arg7[%dma_wait3A_409, %dma_wait3A_410] : memref<8x128xi32, #tpu.memory_space<vmem>> -> memref<1x128xi32, #tpu.memory_space<vmem>>
      %dma_wait3A_412 = tpu.memref_squeeze %dma_wait3A_411 : memref<1x128xi32, #tpu.memory_space<vmem>> -> memref<128xi32, #tpu.memory_space<vmem>>
      %dma_wait3A_413 = arith.constant 0 : i32
      %dma_wait3A_414 = arith.constant 0 : i32
      %dma_wait3A_415 = tpu.memref_slice %arg2[%dma_wait3A_413, %dma_wait3A_414] : memref<10000x128xf32, #tpu.memory_space<hbm>> -> memref<10000x128xf32, #tpu.memory_space<hbm>>
      tpu.wait_indirect_dma semaphore(%arg16 : memref<!tpu.dma_semaphore, #tpu.memory_space<semaphore_mem>>) src(%dma_wait3A_415 : memref<10000x128xf32, #tpu.memory_space<hbm>>) dst(%arg9 : memref<128x128xf32, #tpu.memory_space<vmem>>)
      %run_scoped3A_416 = arith.constant 6 : i32
      "tpu.region"() ({
        %run_scoped3A_460 = tpu.sem_alloc : memref<!tpu.dma_semaphore, #tpu.memory_space<semaphore_mem>>
        %dma_start3A_461 = arith.constant 0 : i32
        %dma_start3A_462 = tpu.memref_slice %arg7[%run_scoped3A_416, %dma_start3A_461] : memref<8x128xi32, #tpu.memory_space<vmem>> -> memref<1x128xi32, #tpu.memory_space<vmem>>
        %dma_start3A_463 = tpu.memref_squeeze %dma_start3A_462 : memref<1x128xi32, #tpu.memory_space<vmem>> -> memref<128xi32, #tpu.memory_space<vmem>>
        %dma_start3A_464 = arith.constant 0 : i32
        %dma_start3A_465 = arith.constant 0 : i32
        %dma_start3A_466 = tpu.memref_slice %arg10[%dma_start3A_464, %dma_start3A_465] : memref<10000x128xf32, #tpu.memory_space<vmem_shared>> -> memref<10000x128xf32, #tpu.memory_space<vmem_shared>>
        tpu.enqueue_indirect_dma source(%arg9 : memref<128x128xf32, #tpu.memory_space<vmem>>) target(%dma_start3A_466 : memref<10000x128xf32, #tpu.memory_space<vmem_shared>>) offsets(%dma_start3A_463 : memref<128xi32, #tpu.memory_space<vmem>>) semaphore(%run_scoped3A_460 : memref<!tpu.dma_semaphore, #tpu.memory_space<semaphore_mem>>) {add = true}
        %dma_wait3A_467 = arith.constant 0 : i32
        %dma_wait3A_468 = tpu.memref_slice %arg7[%run_scoped3A_416, %dma_wait3A_467] : memref<8x128xi32, #tpu.memory_space<vmem>> -> memref<1x128xi32, #tpu.memory_space<vmem>>
        %dma_wait3A_469 = tpu.memref_squeeze %dma_wait3A_468 : memref<1x128xi32, #tpu.memory_space<vmem>> -> memref<128xi32, #tpu.memory_space<vmem>>
        %dma_wait3A_470 = arith.constant 0 : i32
        %dma_wait3A_471 = arith.constant 0 : i32
        %dma_wait3A_472 = tpu.memref_slice %arg10[%dma_wait3A_470, %dma_wait3A_471] : memref<10000x128xf32, #tpu.memory_space<vmem_shared>> -> memref<10000x128xf32, #tpu.memory_space<vmem_shared>>
        tpu.wait_indirect_dma semaphore(%run_scoped3A_460 : memref<!tpu.dma_semaphore, #tpu.memory_space<semaphore_mem>>) src(%arg9 : memref<128x128xf32, #tpu.memory_space<vmem>>) dst(%dma_wait3A_472 : memref<10000x128xf32, #tpu.memory_space<vmem_shared>>)
        tpu.yield
      }) : () -> ()
      %add3A_417 = arith.constant 2 : i32
      %add3A_418 = arith.addi %add3A_408, %add3A_417 : i32
      %add3A_419 = arith.addi %add3A_4, %add3A_418 : i32
      %dma_wait3A_420 = arith.constant 2 : i32
      %dma_wait3A_421 = arith.constant 0 : i32
      %dma_wait3A_422 = tpu.memref_slice %arg7[%dma_wait3A_420, %dma_wait3A_421] : memref<8x128xi32, #tpu.memory_space<vmem>> -> memref<1x128xi32, #tpu.memory_space<vmem>>
      %dma_wait3A_423 = tpu.memref_squeeze %dma_wait3A_422 : memref<1x128xi32, #tpu.memory_space<vmem>> -> memref<128xi32, #tpu.memory_space<vmem>>
      %dma_wait3A_424 = arith.constant 0 : i32
      %dma_wait3A_425 = tpu.memref_slice %arg3[%add3A_419, %dma_wait3A_424] : memref<2500x128xi32, #tpu.memory_space<hbm>> -> memref<1x128xi32, #tpu.memory_space<hbm>>
      %dma_wait3A_426 = tpu.memref_squeeze %dma_wait3A_425 : memref<1x128xi32, #tpu.memory_space<hbm>> -> memref<128xi32, #tpu.memory_space<hbm>>
      %dma_wait3A_427 = arith.constant 0 : i32
      %dma_wait3A_428 = tpu.memref_slice %arg7[%dma_wait3A_420, %dma_wait3A_427] : memref<8x128xi32, #tpu.memory_space<vmem>> -> memref<1x128xi32, #tpu.memory_space<vmem>>
      %dma_wait3A_429 = tpu.memref_squeeze %dma_wait3A_428 : memref<1x128xi32, #tpu.memory_space<vmem>> -> memref<128xi32, #tpu.memory_space<vmem>>
      %dma_wait3A_430 = arith.constant 0 : i32
      %dma_wait3A_431 = tpu.memref_slice %arg3[%add3A_419, %dma_wait3A_430] : memref<2500x128xi32, #tpu.memory_space<hbm>> -> memref<1x128xi32, #tpu.memory_space<hbm>>
      %dma_wait3A_432 = tpu.memref_squeeze %dma_wait3A_431 : memref<1x128xi32, #tpu.memory_space<hbm>> -> memref<128xi32, #tpu.memory_space<hbm>>
      tpu.wait_dma2 semaphore(%arg12 : memref<!tpu.dma_semaphore, #tpu.memory_space<semaphore_mem>>) src(%dma_wait3A_432 : memref<128xi32, #tpu.memory_space<hbm>>) dst(%dma_wait3A_429 : memref<128xi32, #tpu.memory_space<vmem>>)
      %add3A_433 = arith.addi %add3A_4, %add3A_418 : i32
      %dma_wait3A_434 = arith.constant 3 : i32
      %dma_wait3A_435 = arith.constant 0 : i32
      %dma_wait3A_436 = tpu.memref_slice %arg7[%dma_wait3A_434, %dma_wait3A_435] : memref<8x128xi32, #tpu.memory_space<vmem>> -> memref<1x128xi32, #tpu.memory_space<vmem>>
      %dma_wait3A_437 = tpu.memref_squeeze %dma_wait3A_436 : memref<1x128xi32, #tpu.memory_space<vmem>> -> memref<128xi32, #tpu.memory_space<vmem>>
      %dma_wait3A_438 = arith.constant 0 : i32
      %dma_wait3A_439 = tpu.memref_slice %arg4[%add3A_433, %dma_wait3A_438] : memref<2500x128xi32, #tpu.memory_space<hbm>> -> memref<1x128xi32, #tpu.memory_space<hbm>>
      %dma_wait3A_440 = tpu.memref_squeeze %dma_wait3A_439 : memref<1x128xi32, #tpu.memory_space<hbm>> -> memref<128xi32, #tpu.memory_space<hbm>>
      %dma_wait3A_441 = arith.constant 0 : i32
      %dma_wait3A_442 = tpu.memref_slice %arg7[%dma_wait3A_434, %dma_wait3A_441] : memref<8x128xi32, #tpu.memory_space<vmem>> -> memref<1x128xi32, #tpu.memory_space<vmem>>
      %dma_wait3A_443 = tpu.memref_squeeze %dma_wait3A_442 : memref<1x128xi32, #tpu.memory_space<vmem>> -> memref<128xi32, #tpu.memory_space<vmem>>
      %dma_wait3A_444 = arith.constant 0 : i32
      %dma_wait3A_445 = tpu.memref_slice %arg4[%add3A_433, %dma_wait3A_444] : memref<2500x128xi32, #tpu.memory_space<hbm>> -> memref<1x128xi32, #tpu.memory_space<hbm>>
      %dma_wait3A_446 = tpu.memref_squeeze %dma_wait3A_445 : memref<1x128xi32, #tpu.memory_space<hbm>> -> memref<128xi32, #tpu.memory_space<hbm>>
      tpu.wait_dma2 semaphore(%arg12 : memref<!tpu.dma_semaphore, #tpu.memory_space<semaphore_mem>>) src(%dma_wait3A_446 : memref<128xi32, #tpu.memory_space<hbm>>) dst(%dma_wait3A_443 : memref<128xi32, #tpu.memory_space<vmem>>)
      %dma_start3A_447 = arith.constant 3 : i32
      %dma_start3A_448 = arith.constant 0 : i32
      %dma_start3A_449 = tpu.memref_slice %arg7[%dma_start3A_447, %dma_start3A_448] : memref<8x128xi32, #tpu.memory_space<vmem>> -> memref<1x128xi32, #tpu.memory_space<vmem>>
      %dma_start3A_450 = tpu.memref_squeeze %dma_start3A_449 : memref<1x128xi32, #tpu.memory_space<vmem>> -> memref<128xi32, #tpu.memory_space<vmem>>
      %dma_start3A_451 = arith.constant 0 : i32
      %dma_start3A_452 = arith.constant 0 : i32
      %dma_start3A_453 = tpu.memref_slice %arg2[%dma_start3A_451, %dma_start3A_452] : memref<10000x128xf32, #tpu.memory_space<hbm>> -> memref<10000x128xf32, #tpu.memory_space<hbm>>
      tpu.enqueue_indirect_dma source(%dma_start3A_453 : memref<10000x128xf32, #tpu.memory_space<hbm>>) target(%arg9 : memref<128x128xf32, #tpu.memory_space<vmem>>) offsets(%dma_start3A_450 : memref<128xi32, #tpu.memory_space<vmem>>) semaphore(%arg16 : memref<!tpu.dma_semaphore, #tpu.memory_space<semaphore_mem>>)
      %add3A_454 = arith.constant 4 : i32
      %add3A_455 = arith.addi %add3A_408, %add3A_454 : i32
      %lt3A_456 = arith.cmpi slt, %add3A_455, %select_n3A : i32
      %convert_element_type3A_457 = arith.extui %lt3A_456 : i1 to i32
      %cond3A_458 = arith.constant 0 : i32
      %cond3A_459 = arith.cmpi ne, %convert_element_type3A_457, %cond3A_458 : i32
      scf.if %cond3A_459 {
        %add3A_460 = arith.constant 4 : i32
        %add3A_461 = arith.addi %add3A_408, %add3A_460 : i32
        %add3A_462 = arith.addi %add3A_4, %add3A_461 : i32
        %dma_start3A_463 = arith.constant 6 : i32
        %dma_start3A_464 = arith.constant 0 : i32
        %dma_start3A_465 = tpu.memref_slice %arg7[%dma_start3A_463, %dma_start3A_464] : memref<8x128xi32, #tpu.memory_space<vmem>> -> memref<1x128xi32, #tpu.memory_space<vmem>>
        %dma_start3A_466 = tpu.memref_squeeze %dma_start3A_465 : memref<1x128xi32, #tpu.memory_space<vmem>> -> memref<128xi32, #tpu.memory_space<vmem>>
        %dma_start3A_467 = arith.constant 0 : i32
        %dma_start3A_468 = tpu.memref_slice %arg3[%add3A_462, %dma_start3A_467] : memref<2500x128xi32, #tpu.memory_space<hbm>> -> memref<1x128xi32, #tpu.memory_space<hbm>>
        %dma_start3A_469 = tpu.memref_squeeze %dma_start3A_468 : memref<1x128xi32, #tpu.memory_space<hbm>> -> memref<128xi32, #tpu.memory_space<hbm>>
        %dma_start3A_470 = arith.constant 0 : i32
        %dma_start3A_471 = tpu.memref_slice %arg7[%dma_start3A_463, %dma_start3A_470] : memref<8x128xi32, #tpu.memory_space<vmem>> -> memref<1x128xi32, #tpu.memory_space<vmem>>
        %dma_start3A_472 = tpu.memref_squeeze %dma_start3A_471 : memref<1x128xi32, #tpu.memory_space<vmem>> -> memref<128xi32, #tpu.memory_space<vmem>>
        %dma_start3A_473 = arith.constant 0 : i32
        %dma_start3A_474 = tpu.memref_slice %arg3[%add3A_462, %dma_start3A_473] : memref<2500x128xi32, #tpu.memory_space<hbm>> -> memref<1x128xi32, #tpu.memory_space<hbm>>
        %dma_start3A_475 = tpu.memref_squeeze %dma_start3A_474 : memref<1x128xi32, #tpu.memory_space<hbm>> -> memref<128xi32, #tpu.memory_space<hbm>>
        tpu.enqueue_dma source(%dma_start3A_475 : memref<128xi32, #tpu.memory_space<hbm>>) target(%dma_start3A_472 : memref<128xi32, #tpu.memory_space<vmem>>) target_semaphore(%arg14 : memref<!tpu.dma_semaphore, #tpu.memory_space<semaphore_mem>>)
        %add3A_476 = arith.addi %add3A_4, %add3A_461 : i32
        %dma_start3A_477 = arith.constant 7 : i32
        %dma_start3A_478 = arith.constant 0 : i32
        %dma_start3A_479 = tpu.memref_slice %arg7[%dma_start3A_477, %dma_start3A_478] : memref<8x128xi32, #tpu.memory_space<vmem>> -> memref<1x128xi32, #tpu.memory_space<vmem>>
        %dma_start3A_480 = tpu.memref_squeeze %dma_start3A_479 : memref<1x128xi32, #tpu.memory_space<vmem>> -> memref<128xi32, #tpu.memory_space<vmem>>
        %dma_start3A_481 = arith.constant 0 : i32
        %dma_start3A_482 = tpu.memref_slice %arg4[%add3A_476, %dma_start3A_481] : memref<2500x128xi32, #tpu.memory_space<hbm>> -> memref<1x128xi32, #tpu.memory_space<hbm>>
        %dma_start3A_483 = tpu.memref_squeeze %dma_start3A_482 : memref<1x128xi32, #tpu.memory_space<hbm>> -> memref<128xi32, #tpu.memory_space<hbm>>
        %dma_start3A_484 = arith.constant 0 : i32
        %dma_start3A_485 = tpu.memref_slice %arg7[%dma_start3A_477, %dma_start3A_484] : memref<8x128xi32, #tpu.memory_space<vmem>> -> memref<1x128xi32, #tpu.memory_space<vmem>>
        %dma_start3A_486 = tpu.memref_squeeze %dma_start3A_485 : memref<1x128xi32, #tpu.memory_space<vmem>> -> memref<128xi32, #tpu.memory_space<vmem>>
        %dma_start3A_487 = arith.constant 0 : i32
        %dma_start3A_488 = tpu.memref_slice %arg4[%add3A_476, %dma_start3A_487] : memref<2500x128xi32, #tpu.memory_space<hbm>> -> memref<1x128xi32, #tpu.memory_space<hbm>>
        %dma_start3A_489 = tpu.memref_squeeze %dma_start3A_488 : memref<1x128xi32, #tpu.memory_space<hbm>> -> memref<128xi32, #tpu.memory_space<hbm>>
        tpu.enqueue_dma source(%dma_start3A_489 : memref<128xi32, #tpu.memory_space<hbm>>) target(%dma_start3A_486 : memref<128xi32, #tpu.memory_space<vmem>>) target_semaphore(%arg14 : memref<!tpu.dma_semaphore, #tpu.memory_space<semaphore_mem>>)
      } else {
      }
    }
    %scan3A_208 = arith.constant 19 : i32
    %dma_wait3A_209 = arith.constant 1 : i32
    %dma_wait3A_210 = arith.constant 0 : i32
    %dma_wait3A_211 = tpu.memref_slice %arg7[%dma_wait3A_209, %dma_wait3A_210] : memref<8x128xi32, #tpu.memory_space<vmem>> -> memref<1x128xi32, #tpu.memory_space<vmem>>
    %dma_wait3A_212 = tpu.memref_squeeze %dma_wait3A_211 : memref<1x128xi32, #tpu.memory_space<vmem>> -> memref<128xi32, #tpu.memory_space<vmem>>
    %dma_wait3A_213 = arith.constant 0 : i32
    %dma_wait3A_214 = arith.constant 0 : i32
    %dma_wait3A_215 = tpu.memref_slice %arg2[%dma_wait3A_213, %dma_wait3A_214] : memref<10000x128xf32, #tpu.memory_space<hbm>> -> memref<10000x128xf32, #tpu.memory_space<hbm>>
    tpu.wait_indirect_dma semaphore(%arg15 : memref<!tpu.dma_semaphore, #tpu.memory_space<semaphore_mem>>) src(%dma_wait3A_215 : memref<10000x128xf32, #tpu.memory_space<hbm>>) dst(%arg8 : memref<128x128xf32, #tpu.memory_space<vmem>>)
    %run_scoped3A = arith.constant 0 : i32
    "tpu.region"() ({
      %run_scoped3A_239 = tpu.sem_alloc : memref<!tpu.dma_semaphore, #tpu.memory_space<semaphore_mem>>
      %dma_start3A_240 = arith.constant 0 : i32
      %dma_start3A_241 = tpu.memref_slice %arg7[%run_scoped3A, %dma_start3A_240] : memref<8x128xi32, #tpu.memory_space<vmem>> -> memref<1x128xi32, #tpu.memory_space<vmem>>
      %dma_start3A_242 = tpu.memref_squeeze %dma_start3A_241 : memref<1x128xi32, #tpu.memory_space<vmem>> -> memref<128xi32, #tpu.memory_space<vmem>>
      %dma_start3A_243 = arith.constant 0 : i32
      %dma_start3A_244 = arith.constant 0 : i32
      %dma_start3A_245 = tpu.memref_slice %arg10[%dma_start3A_243, %dma_start3A_244] : memref<10000x128xf32, #tpu.memory_space<vmem_shared>> -> memref<10000x128xf32, #tpu.memory_space<vmem_shared>>
      tpu.enqueue_indirect_dma source(%arg8 : memref<128x128xf32, #tpu.memory_space<vmem>>) target(%dma_start3A_245 : memref<10000x128xf32, #tpu.memory_space<vmem_shared>>) offsets(%dma_start3A_242 : memref<128xi32, #tpu.memory_space<vmem>>) semaphore(%run_scoped3A_239 : memref<!tpu.dma_semaphore, #tpu.memory_space<semaphore_mem>>) {add = true}
      %dma_wait3A_246 = arith.constant 0 : i32
      %dma_wait3A_247 = tpu.memref_slice %arg7[%run_scoped3A, %dma_wait3A_246] : memref<8x128xi32, #tpu.memory_space<vmem>> -> memref<1x128xi32, #tpu.memory_space<vmem>>
      %dma_wait3A_248 = tpu.memref_squeeze %dma_wait3A_247 : memref<1x128xi32, #tpu.memory_space<vmem>> -> memref<128xi32, #tpu.memory_space<vmem>>
      %dma_wait3A_249 = arith.constant 0 : i32
      %dma_wait3A_250 = arith.constant 0 : i32
      %dma_wait3A_251 = tpu.memref_slice %arg10[%dma_wait3A_249, %dma_wait3A_250] : memref<10000x128xf32, #tpu.memory_space<vmem_shared>> -> memref<10000x128xf32, #tpu.memory_space<vmem_shared>>
      tpu.wait_indirect_dma semaphore(%run_scoped3A_239 : memref<!tpu.dma_semaphore, #tpu.memory_space<semaphore_mem>>) src(%arg8 : memref<128x128xf32, #tpu.memory_space<vmem>>) dst(%dma_wait3A_251 : memref<10000x128xf32, #tpu.memory_space<vmem_shared>>)
      tpu.yield
    }) : () -> ()
    %gt3A = arith.constant 78 : i32
    %gt3A_216 = arith.cmpi sgt, %select_n3A, %gt3A : i32
    %convert_element_type3A_217 = arith.extui %gt3A_216 : i1 to i32
    %cond3A_218 = arith.constant 0 : i32
    %cond3A_219 = arith.cmpi ne, %convert_element_type3A_217, %cond3A_218 : i32
    scf.if %cond3A_219 {
      %add3A_239 = arith.constant 78 : i32
      %add3A_240 = arith.addi %add3A_4, %add3A_239 : i32
      %dma_wait3A_241 = arith.constant 4 : i32
      %dma_wait3A_242 = arith.constant 0 : i32
      %dma_wait3A_243 = tpu.memref_slice %arg7[%dma_wait3A_241, %dma_wait3A_242] : memref<8x128xi32, #tpu.memory_space<vmem>> -> memref<1x128xi32, #tpu.memory_space<vmem>>
      %dma_wait3A_244 = tpu.memref_squeeze %dma_wait3A_243 : memref<1x128xi32, #tpu.memory_space<vmem>> -> memref<128xi32, #tpu.memory_space<vmem>>
      %dma_wait3A_245 = arith.constant 0 : i32
      %dma_wait3A_246 = tpu.memref_slice %arg3[%add3A_240, %dma_wait3A_245] : memref<2500x128xi32, #tpu.memory_space<hbm>> -> memref<1x128xi32, #tpu.memory_space<hbm>>
      %dma_wait3A_247 = tpu.memref_squeeze %dma_wait3A_246 : memref<1x128xi32, #tpu.memory_space<hbm>> -> memref<128xi32, #tpu.memory_space<hbm>>
      %dma_wait3A_248 = arith.constant 0 : i32
      %dma_wait3A_249 = tpu.memref_slice %arg7[%dma_wait3A_241, %dma_wait3A_248] : memref<8x128xi32, #tpu.memory_space<vmem>> -> memref<1x128xi32, #tpu.memory_space<vmem>>
      %dma_wait3A_250 = tpu.memref_squeeze %dma_wait3A_249 : memref<1x128xi32, #tpu.memory_space<vmem>> -> memref<128xi32, #tpu.memory_space<vmem>>
      %dma_wait3A_251 = arith.constant 0 : i32
      %dma_wait3A_252 = tpu.memref_slice %arg3[%add3A_240, %dma_wait3A_251] : memref<2500x128xi32, #tpu.memory_space<hbm>> -> memref<1x128xi32, #tpu.memory_space<hbm>>
      %dma_wait3A_253 = tpu.memref_squeeze %dma_wait3A_252 : memref<1x128xi32, #tpu.memory_space<hbm>> -> memref<128xi32, #tpu.memory_space<hbm>>
      tpu.wait_dma2 semaphore(%arg13 : memref<!tpu.dma_semaphore, #tpu.memory_space<semaphore_mem>>) src(%dma_wait3A_253 : memref<128xi32, #tpu.memory_space<hbm>>) dst(%dma_wait3A_250 : memref<128xi32, #tpu.memory_space<vmem>>)
      %add3A_254 = arith.constant 78 : i32
      %add3A_255 = arith.addi %add3A_4, %add3A_254 : i32
      %dma_wait3A_256 = arith.constant 5 : i32
      %dma_wait3A_257 = arith.constant 0 : i32
      %dma_wait3A_258 = tpu.memref_slice %arg7[%dma_wait3A_256, %dma_wait3A_257] : memref<8x128xi32, #tpu.memory_space<vmem>> -> memref<1x128xi32, #tpu.memory_space<vmem>>
      %dma_wait3A_259 = tpu.memref_squeeze %dma_wait3A_258 : memref<1x128xi32, #tpu.memory_space<vmem>> -> memref<128xi32, #tpu.memory_space<vmem>>
      %dma_wait3A_260 = arith.constant 0 : i32
      %dma_wait3A_261 = tpu.memref_slice %arg4[%add3A_255, %dma_wait3A_260] : memref<2500x128xi32, #tpu.memory_space<hbm>> -> memref<1x128xi32, #tpu.memory_space<hbm>>
      %dma_wait3A_262 = tpu.memref_squeeze %dma_wait3A_261 : memref<1x128xi32, #tpu.memory_space<hbm>> -> memref<128xi32, #tpu.memory_space<hbm>>
      %dma_wait3A_263 = arith.constant 0 : i32
      %dma_wait3A_264 = tpu.memref_slice %arg7[%dma_wait3A_256, %dma_wait3A_263] : memref<8x128xi32, #tpu.memory_space<vmem>> -> memref<1x128xi32, #tpu.memory_space<vmem>>
      %dma_wait3A_265 = tpu.memref_squeeze %dma_wait3A_264 : memref<1x128xi32, #tpu.memory_space<vmem>> -> memref<128xi32, #tpu.memory_space<vmem>>
      %dma_wait3A_266 = arith.constant 0 : i32
      %dma_wait3A_267 = tpu.memref_slice %arg4[%add3A_255, %dma_wait3A_266] : memref<2500x128xi32, #tpu.memory_space<hbm>> -> memref<1x128xi32, #tpu.memory_space<hbm>>
      %dma_wait3A_268 = tpu.memref_squeeze %dma_wait3A_267 : memref<1x128xi32, #tpu.memory_space<hbm>> -> memref<128xi32, #tpu.memory_space<hbm>>
      tpu.wait_dma2 semaphore(%arg13 : memref<!tpu.dma_semaphore, #tpu.memory_space<semaphore_mem>>) src(%dma_wait3A_268 : memref<128xi32, #tpu.memory_space<hbm>>) dst(%dma_wait3A_265 : memref<128xi32, #tpu.memory_space<vmem>>)
      %dma_start3A_269 = arith.constant 5 : i32
      %dma_start3A_270 = arith.constant 0 : i32
      %dma_start3A_271 = tpu.memref_slice %arg7[%dma_start3A_269, %dma_start3A_270] : memref<8x128xi32, #tpu.memory_space<vmem>> -> memref<1x128xi32, #tpu.memory_space<vmem>>
      %dma_start3A_272 = tpu.memref_squeeze %dma_start3A_271 : memref<1x128xi32, #tpu.memory_space<vmem>> -> memref<128xi32, #tpu.memory_space<vmem>>
      %dma_start3A_273 = arith.constant 0 : i32
      %dma_start3A_274 = arith.constant 0 : i32
      %dma_start3A_275 = tpu.memref_slice %arg2[%dma_start3A_273, %dma_start3A_274] : memref<10000x128xf32, #tpu.memory_space<hbm>> -> memref<10000x128xf32, #tpu.memory_space<hbm>>
      tpu.enqueue_indirect_dma source(%dma_start3A_275 : memref<10000x128xf32, #tpu.memory_space<hbm>>) target(%arg8 : memref<128x128xf32, #tpu.memory_space<vmem>>) offsets(%dma_start3A_272 : memref<128xi32, #tpu.memory_space<vmem>>) semaphore(%arg15 : memref<!tpu.dma_semaphore, #tpu.memory_space<semaphore_mem>>)
    } else {
    }
    %dma_wait3A_220 = arith.constant 3 : i32
    %dma_wait3A_221 = arith.constant 0 : i32
    %dma_wait3A_222 = tpu.memref_slice %arg7[%dma_wait3A_220, %dma_wait3A_221] : memref<8x128xi32, #tpu.memory_space<vmem>> -> memref<1x128xi32, #tpu.memory_space<vmem>>
    %dma_wait3A_223 = tpu.memref_squeeze %dma_wait3A_222 : memref<1x128xi32, #tpu.memory_space<vmem>> -> memref<128xi32, #tpu.memory_space<vmem>>
    %dma_wait3A_224 = arith.constant 0 : i32
    %dma_wait3A_225 = arith.constant 0 : i32
    %dma_wait3A_226 = tpu.memref_slice %arg2[%dma_wait3A_224, %dma_wait3A_225] : memref<10000x128xf32, #tpu.memory_space<hbm>> -> memref<10000x128xf32, #tpu.memory_space<hbm>>
    tpu.wait_indirect_dma semaphore(%arg16 : memref<!tpu.dma_semaphore, #tpu.memory_space<semaphore_mem>>) src(%dma_wait3A_226 : memref<10000x128xf32, #tpu.memory_space<hbm>>) dst(%arg9 : memref<128x128xf32, #tpu.memory_space<vmem>>)
    %run_scoped3A_227 = arith.constant 2 : i32
    "tpu.region"() ({
      %run_scoped3A_239 = tpu.sem_alloc : memref<!tpu.dma_semaphore, #tpu.memory_space<semaphore_mem>>
      %dma_start3A_240 = arith.constant 0 : i32
      %dma_start3A_241 = tpu.memref_slice %arg7[%run_scoped3A_227, %dma_start3A_240] : memref<8x128xi32, #tpu.memory_space<vmem>> -> memref<1x128xi32, #tpu.memory_space<vmem>>
      %dma_start3A_242 = tpu.memref_squeeze %dma_start3A_241 : memref<1x128xi32, #tpu.memory_space<vmem>> -> memref<128xi32, #tpu.memory_space<vmem>>
      %dma_start3A_243 = arith.constant 0 : i32
      %dma_start3A_244 = arith.constant 0 : i32
      %dma_start3A_245 = tpu.memref_slice %arg10[%dma_start3A_243, %dma_start3A_244] : memref<10000x128xf32, #tpu.memory_space<vmem_shared>> -> memref<10000x128xf32, #tpu.memory_space<vmem_shared>>
      tpu.enqueue_indirect_dma source(%arg9 : memref<128x128xf32, #tpu.memory_space<vmem>>) target(%dma_start3A_245 : memref<10000x128xf32, #tpu.memory_space<vmem_shared>>) offsets(%dma_start3A_242 : memref<128xi32, #tpu.memory_space<vmem>>) semaphore(%run_scoped3A_239 : memref<!tpu.dma_semaphore, #tpu.memory_space<semaphore_mem>>) {add = true}
      %dma_wait3A_246 = arith.constant 0 : i32
      %dma_wait3A_247 = tpu.memref_slice %arg7[%run_scoped3A_227, %dma_wait3A_246] : memref<8x128xi32, #tpu.memory_space<vmem>> -> memref<1x128xi32, #tpu.memory_space<vmem>>
      %dma_wait3A_248 = tpu.memref_squeeze %dma_wait3A_247 : memref<1x128xi32, #tpu.memory_space<vmem>> -> memref<128xi32, #tpu.memory_space<vmem>>
      %dma_wait3A_249 = arith.constant 0 : i32
      %dma_wait3A_250 = arith.constant 0 : i32
      %dma_wait3A_251 = tpu.memref_slice %arg10[%dma_wait3A_249, %dma_wait3A_250] : memref<10000x128xf32, #tpu.memory_space<vmem_shared>> -> memref<10000x128xf32, #tpu.memory_space<vmem_shared>>
      tpu.wait_indirect_dma semaphore(%run_scoped3A_239 : memref<!tpu.dma_semaphore, #tpu.memory_space<semaphore_mem>>) src(%arg9 : memref<128x128xf32, #tpu.memory_space<vmem>>) dst(%dma_wait3A_251 : memref<10000x128xf32, #tpu.memory_space<vmem_shared>>)
      tpu.yield
    }) : () -> ()
    %gt3A_228 = arith.constant 78 : i32
    %gt3A_229 = arith.cmpi sgt, %select_n3A, %gt3A_228 : i32
    %convert_element_type3A_230 = arith.extui %gt3A_229 : i1 to i32
    %cond3A_231 = arith.constant 0 : i32
    %cond3A_232 = arith.cmpi ne, %convert_element_type3A_230, %cond3A_231 : i32
    scf.if %cond3A_232 {
      %dma_wait3A_239 = arith.constant 5 : i32
      %dma_wait3A_240 = arith.constant 0 : i32
      %dma_wait3A_241 = tpu.memref_slice %arg7[%dma_wait3A_239, %dma_wait3A_240] : memref<8x128xi32, #tpu.memory_space<vmem>> -> memref<1x128xi32, #tpu.memory_space<vmem>>
      %dma_wait3A_242 = tpu.memref_squeeze %dma_wait3A_241 : memref<1x128xi32, #tpu.memory_space<vmem>> -> memref<128xi32, #tpu.memory_space<vmem>>
      %dma_wait3A_243 = arith.constant 0 : i32
      %dma_wait3A_244 = arith.constant 0 : i32
      %dma_wait3A_245 = tpu.memref_slice %arg2[%dma_wait3A_243, %dma_wait3A_244] : memref<10000x128xf32, #tpu.memory_space<hbm>> -> memref<10000x128xf32, #tpu.memory_space<hbm>>
      tpu.wait_indirect_dma semaphore(%arg15 : memref<!tpu.dma_semaphore, #tpu.memory_space<semaphore_mem>>) src(%dma_wait3A_245 : memref<10000x128xf32, #tpu.memory_space<hbm>>) dst(%arg8 : memref<128x128xf32, #tpu.memory_space<vmem>>)
      %run_scoped3A_246 = arith.constant 4 : i32
      "tpu.region"() ({
        %run_scoped3A_247 = tpu.sem_alloc : memref<!tpu.dma_semaphore, #tpu.memory_space<semaphore_mem>>
        %dma_start3A_248 = arith.constant 0 : i32
        %dma_start3A_249 = tpu.memref_slice %arg7[%run_scoped3A_246, %dma_start3A_248] : memref<8x128xi32, #tpu.memory_space<vmem>> -> memref<1x128xi32, #tpu.memory_space<vmem>>
        %dma_start3A_250 = tpu.memref_squeeze %dma_start3A_249 : memref<1x128xi32, #tpu.memory_space<vmem>> -> memref<128xi32, #tpu.memory_space<vmem>>
        %dma_start3A_251 = arith.constant 0 : i32
        %dma_start3A_252 = arith.constant 0 : i32
        %dma_start3A_253 = tpu.memref_slice %arg10[%dma_start3A_251, %dma_start3A_252] : memref<10000x128xf32, #tpu.memory_space<vmem_shared>> -> memref<10000x128xf32, #tpu.memory_space<vmem_shared>>
        tpu.enqueue_indirect_dma source(%arg8 : memref<128x128xf32, #tpu.memory_space<vmem>>) target(%dma_start3A_253 : memref<10000x128xf32, #tpu.memory_space<vmem_shared>>) offsets(%dma_start3A_250 : memref<128xi32, #tpu.memory_space<vmem>>) semaphore(%run_scoped3A_247 : memref<!tpu.dma_semaphore, #tpu.memory_space<semaphore_mem>>) {add = true}
        %dma_wait3A_254 = arith.constant 0 : i32
        %dma_wait3A_255 = tpu.memref_slice %arg7[%run_scoped3A_246, %dma_wait3A_254] : memref<8x128xi32, #tpu.memory_space<vmem>> -> memref<1x128xi32, #tpu.memory_space<vmem>>
        %dma_wait3A_256 = tpu.memref_squeeze %dma_wait3A_255 : memref<1x128xi32, #tpu.memory_space<vmem>> -> memref<128xi32, #tpu.memory_space<vmem>>
        %dma_wait3A_257 = arith.constant 0 : i32
        %dma_wait3A_258 = arith.constant 0 : i32
        %dma_wait3A_259 = tpu.memref_slice %arg10[%dma_wait3A_257, %dma_wait3A_258] : memref<10000x128xf32, #tpu.memory_space<vmem_shared>> -> memref<10000x128xf32, #tpu.memory_space<vmem_shared>>
        tpu.wait_indirect_dma semaphore(%run_scoped3A_247 : memref<!tpu.dma_semaphore, #tpu.memory_space<semaphore_mem>>) src(%arg8 : memref<128x128xf32, #tpu.memory_space<vmem>>) dst(%dma_wait3A_259 : memref<10000x128xf32, #tpu.memory_space<vmem_shared>>)
        tpu.yield
      }) : () -> ()
    } else {
    }
    %barrier3A_233 = arith.constant 0 : index
    tpu.barrier barrier_id(%barrier3A_233)
    %lt3A_234 = arith.constant 10 : i32
    %lt3A_235 = arith.cmpi slt, %arg1, %lt3A_234 : i32
    %convert_element_type3A_236 = arith.extui %lt3A_235 : i1 to i32
    %cond3A_237 = arith.constant 0 : i32
    %cond3A_238 = arith.cmpi ne, %convert_element_type3A_236, %cond3A_237 : i32
    scf.if %cond3A_238 {
      "tpu.region"() ({
        %run_scoped3A_239 = tpu.sem_alloc : memref<!tpu.dma_semaphore, #tpu.memory_space<semaphore_mem>>
        %dma_start3A_240 = arith.constant 0 : i32
        %dma_start3A_241 = tpu.memref_slice %arg6[%arg0, %mul3A_8, %dma_start3A_240] : memref<2x10000x128xf32, #tpu.memory_space<hbm>> -> memref<1x1000x128xf32, #tpu.memory_space<hbm>>
        %dma_start3A_242 = tpu.memref_squeeze %dma_start3A_241 : memref<1x1000x128xf32, #tpu.memory_space<hbm>> -> memref<1000x128xf32, #tpu.memory_space<hbm>>
        %dma_start3A_243 = arith.constant 0 : i32
        %dma_start3A_244 = tpu.memref_slice %arg10[%mul3A_8, %dma_start3A_243] : memref<10000x128xf32, #tpu.memory_space<vmem_shared>> -> memref<1000x128xf32, #tpu.memory_space<vmem_shared>>
        tpu.enqueue_dma source(%dma_start3A_244 : memref<1000x128xf32, #tpu.memory_space<vmem_shared>>) target(%dma_start3A_242 : memref<1000x128xf32, #tpu.memory_space<hbm>>) target_semaphore(%run_scoped3A_239 : memref<!tpu.dma_semaphore, #tpu.memory_space<semaphore_mem>>)
        %dma_wait3A_245 = arith.constant 0 : i32
        %dma_wait3A_246 = tpu.memref_slice %arg6[%arg0, %mul3A_8, %dma_wait3A_245] : memref<2x10000x128xf32, #tpu.memory_space<hbm>> -> memref<1x1000x128xf32, #tpu.memory_space<hbm>>
        %dma_wait3A_247 = tpu.memref_squeeze %dma_wait3A_246 : memref<1x1000x128xf32, #tpu.memory_space<hbm>> -> memref<1000x128xf32, #tpu.memory_space<hbm>>
        %dma_wait3A_248 = arith.constant 0 : i32
        %dma_wait3A_249 = tpu.memref_slice %arg10[%mul3A_8, %dma_wait3A_248] : memref<10000x128xf32, #tpu.memory_space<vmem_shared>> -> memref<1000x128xf32, #tpu.memory_space<vmem_shared>>
        tpu.wait_dma2 semaphore(%run_scoped3A_239 : memref<!tpu.dma_semaphore, #tpu.memory_space<semaphore_mem>>) src(%dma_wait3A_249 : memref<1000x128xf32, #tpu.memory_space<vmem_shared>>) dst(%dma_wait3A_247 : memref<1000x128xf32, #tpu.memory_space<hbm>>)
        tpu.yield
      }) : () -> ()
    } else {
    }
    return
  }
}

#map = affine_map<(d0, d1) -> (0, 0, 0)>
#map1 = affine_map<(d0, d1) -> (0)>
#map2 = affine_map<(d0, d1) -> (0, 0)>
module attributes {stable_mosaic.version = 14 : i64} {
  func.func @_deg_body(%arg0: i32, %arg1: i32, %arg2: memref<32x80x125xi32, #tpu.memory_space<hbm>>, %arg3: memref<10000xf32, #tpu.memory_space<hbm>>, %arg4: memref<2x10000xf32, #tpu.memory_space<hbm>>, %arg5: memref<80x125xi32, #tpu.memory_space<vmem>>, %arg6: memref<128xf32, #tpu.memory_space<vmem>>, %arg7: memref<10000xf32, #tpu.memory_space<vmem_shared>>, %arg8: memref<!tpu.dma_semaphore, #tpu.memory_space<semaphore_mem>>) attributes {dimension_semantics = [#tpu.dimension_semantics<core_parallel>, #tpu.dimension_semantics<subcore_parallel>], iteration_bounds = array<i64: 2, 16>, scalar_prefetch = 0 : i64, scratch_operands = 4 : i64, tpu.core_type = #tpu.core_type<sc_vector_subcore>, window_params = [{transform_indices = #map}, {transform_indices = #map1}, {transform_indices = #map2}]} {
    %mul3A = arith.constant 2 : i32
    %mul3A_0 = arith.muli %arg1, %mul3A : i32
    %add3A = arith.addi %mul3A_0, %arg0 : i32
    %eq3A = arith.constant 0 : i32
    %eq3A_1 = arith.cmpi eq, %arg1, %eq3A : i32
    %convert_element_type3A = arith.extui %eq3A_1 : i1 to i32
    %cond3A = arith.constant 0 : i32
    %cond3A_2 = arith.cmpi ne, %convert_element_type3A, %cond3A : i32
    scf.if %cond3A_2 {
      "tpu.region"() ({
        %run_scoped3A = tpu.sem_alloc : memref<!tpu.dma_semaphore, #tpu.memory_space<semaphore_mem>>
        tpu.enqueue_dma source(%arg3 : memref<10000xf32, #tpu.memory_space<hbm>>) target(%arg7 : memref<10000xf32, #tpu.memory_space<vmem_shared>>) target_semaphore(%run_scoped3A : memref<!tpu.dma_semaphore, #tpu.memory_space<semaphore_mem>>)
        tpu.wait_dma2 semaphore(%run_scoped3A : memref<!tpu.dma_semaphore, #tpu.memory_space<semaphore_mem>>) src(%arg3 : memref<10000xf32, #tpu.memory_space<hbm>>) dst(%arg7 : memref<10000xf32, #tpu.memory_space<vmem_shared>>)
        tpu.yield
      }) : () -> ()
    } else {
    }
    %broadcast_in_dim3A = arith.constant 1.000000e+00 : f32
    %broadcast_in_dim3A_3 = vector.broadcast %broadcast_in_dim3A : f32 to vector<16xf32>
    %swap3A = arith.constant 0 : index
    %swap3A_4 = tpu.vector_load %arg6[%swap3A] {strides = array<i32>} : memref<128xf32, #tpu.memory_space<vmem>>, vector<16xf32>,
    %swap3A_5 = vector.shape_cast %swap3A_4 : vector<16xf32> to vector<16xf32>
    %swap3A_6 = vector.shape_cast %broadcast_in_dim3A_3 : vector<16xf32> to vector<16xf32>
    tpu.vector_store %arg6[%swap3A], %swap3A_6 {strides = array<i32>} : memref<128xf32, #tpu.memory_space<vmem>>, vector<16xf32>,
    %broadcast_in_dim3A_7 = arith.constant 1.000000e+00 : f32
    %broadcast_in_dim3A_8 = vector.broadcast %broadcast_in_dim3A_7 : f32 to vector<16xf32>
    %swap3A_9 = arith.constant 16 : index
    %swap3A_10 = tpu.vector_load %arg6[%swap3A_9] {strides = array<i32>} : memref<128xf32, #tpu.memory_space<vmem>>, vector<16xf32>,
    %swap3A_11 = vector.shape_cast %swap3A_10 : vector<16xf32> to vector<16xf32>
    %swap3A_12 = vector.shape_cast %broadcast_in_dim3A_8 : vector<16xf32> to vector<16xf32>
    tpu.vector_store %arg6[%swap3A_9], %swap3A_12 {strides = array<i32>} : memref<128xf32, #tpu.memory_space<vmem>>, vector<16xf32>,
    %broadcast_in_dim3A_13 = arith.constant 1.000000e+00 : f32
    %broadcast_in_dim3A_14 = vector.broadcast %broadcast_in_dim3A_13 : f32 to vector<16xf32>
    %swap3A_15 = arith.constant 32 : index
    %swap3A_16 = tpu.vector_load %arg6[%swap3A_15] {strides = array<i32>} : memref<128xf32, #tpu.memory_space<vmem>>, vector<16xf32>,
    %swap3A_17 = vector.shape_cast %swap3A_16 : vector<16xf32> to vector<16xf32>
    %swap3A_18 = vector.shape_cast %broadcast_in_dim3A_14 : vector<16xf32> to vector<16xf32>
    tpu.vector_store %arg6[%swap3A_15], %swap3A_18 {strides = array<i32>} : memref<128xf32, #tpu.memory_space<vmem>>, vector<16xf32>,
    %broadcast_in_dim3A_19 = arith.constant 1.000000e+00 : f32
    %broadcast_in_dim3A_20 = vector.broadcast %broadcast_in_dim3A_19 : f32 to vector<16xf32>
    %swap3A_21 = arith.constant 48 : index
    %swap3A_22 = tpu.vector_load %arg6[%swap3A_21] {strides = array<i32>} : memref<128xf32, #tpu.memory_space<vmem>>, vector<16xf32>,
    %swap3A_23 = vector.shape_cast %swap3A_22 : vector<16xf32> to vector<16xf32>
    %swap3A_24 = vector.shape_cast %broadcast_in_dim3A_20 : vector<16xf32> to vector<16xf32>
    tpu.vector_store %arg6[%swap3A_21], %swap3A_24 {strides = array<i32>} : memref<128xf32, #tpu.memory_space<vmem>>, vector<16xf32>,
    %broadcast_in_dim3A_25 = arith.constant 1.000000e+00 : f32
    %broadcast_in_dim3A_26 = vector.broadcast %broadcast_in_dim3A_25 : f32 to vector<16xf32>
    %swap3A_27 = arith.constant 64 : index
    %swap3A_28 = tpu.vector_load %arg6[%swap3A_27] {strides = array<i32>} : memref<128xf32, #tpu.memory_space<vmem>>, vector<16xf32>,
    %swap3A_29 = vector.shape_cast %swap3A_28 : vector<16xf32> to vector<16xf32>
    %swap3A_30 = vector.shape_cast %broadcast_in_dim3A_26 : vector<16xf32> to vector<16xf32>
    tpu.vector_store %arg6[%swap3A_27], %swap3A_30 {strides = array<i32>} : memref<128xf32, #tpu.memory_space<vmem>>, vector<16xf32>,
    %broadcast_in_dim3A_31 = arith.constant 1.000000e+00 : f32
    %broadcast_in_dim3A_32 = vector.broadcast %broadcast_in_dim3A_31 : f32 to vector<16xf32>
    %swap3A_33 = arith.constant 80 : index
    %swap3A_34 = tpu.vector_load %arg6[%swap3A_33] {strides = array<i32>} : memref<128xf32, #tpu.memory_space<vmem>>, vector<16xf32>,
    %swap3A_35 = vector.shape_cast %swap3A_34 : vector<16xf32> to vector<16xf32>
    %swap3A_36 = vector.shape_cast %broadcast_in_dim3A_32 : vector<16xf32> to vector<16xf32>
    tpu.vector_store %arg6[%swap3A_33], %swap3A_36 {strides = array<i32>} : memref<128xf32, #tpu.memory_space<vmem>>, vector<16xf32>,
    %broadcast_in_dim3A_37 = arith.constant 1.000000e+00 : f32
    %broadcast_in_dim3A_38 = vector.broadcast %broadcast_in_dim3A_37 : f32 to vector<16xf32>
    %swap3A_39 = arith.constant 96 : index
    %swap3A_40 = tpu.vector_load %arg6[%swap3A_39] {strides = array<i32>} : memref<128xf32, #tpu.memory_space<vmem>>, vector<16xf32>,
    %swap3A_41 = vector.shape_cast %swap3A_40 : vector<16xf32> to vector<16xf32>
    %swap3A_42 = vector.shape_cast %broadcast_in_dim3A_38 : vector<16xf32> to vector<16xf32>
    tpu.vector_store %arg6[%swap3A_39], %swap3A_42 {strides = array<i32>} : memref<128xf32, #tpu.memory_space<vmem>>, vector<16xf32>,
    %broadcast_in_dim3A_43 = arith.constant 1.000000e+00 : f32
    %broadcast_in_dim3A_44 = vector.broadcast %broadcast_in_dim3A_43 : f32 to vector<16xf32>
    %swap3A_45 = arith.constant 112 : index
    %swap3A_46 = tpu.vector_load %arg6[%swap3A_45] {strides = array<i32>} : memref<128xf32, #tpu.memory_space<vmem>>, vector<16xf32>,
    %swap3A_47 = vector.shape_cast %swap3A_46 : vector<16xf32> to vector<16xf32>
    %swap3A_48 = vector.shape_cast %broadcast_in_dim3A_44 : vector<16xf32> to vector<16xf32>
    tpu.vector_store %arg6[%swap3A_45], %swap3A_48 {strides = array<i32>} : memref<128xf32, #tpu.memory_space<vmem>>, vector<16xf32>,
    "tpu.region"() ({
      %run_scoped3A = tpu.sem_alloc : memref<!tpu.dma_semaphore, #tpu.memory_space<semaphore_mem>>
      %dma_start3A = arith.constant 0 : i32
      %dma_start3A_60 = arith.constant 0 : i32
      %dma_start3A_61 = tpu.memref_slice %arg2[%add3A, %dma_start3A, %dma_start3A_60] : memref<32x80x125xi32, #tpu.memory_space<hbm>> -> memref<1x80x125xi32, #tpu.memory_space<hbm>>
      %dma_start3A_62 = tpu.memref_squeeze %dma_start3A_61 : memref<1x80x125xi32, #tpu.memory_space<hbm>> -> memref<80x125xi32, #tpu.memory_space<hbm>>
      %dma_start3A_63 = arith.constant 0 : i32
      %dma_start3A_64 = arith.constant 0 : i32
      %dma_start3A_65 = tpu.memref_slice %arg2[%add3A, %dma_start3A_63, %dma_start3A_64] : memref<32x80x125xi32, #tpu.memory_space<hbm>> -> memref<1x80x125xi32, #tpu.memory_space<hbm>>
      %dma_start3A_66 = tpu.memref_squeeze %dma_start3A_65 : memref<1x80x125xi32, #tpu.memory_space<hbm>> -> memref<80x125xi32, #tpu.memory_space<hbm>>
      tpu.enqueue_dma source(%dma_start3A_66 : memref<80x125xi32, #tpu.memory_space<hbm>>) target(%arg5 : memref<80x125xi32, #tpu.memory_space<vmem>>) target_semaphore(%run_scoped3A : memref<!tpu.dma_semaphore, #tpu.memory_space<semaphore_mem>>)
      %dma_wait3A = arith.constant 0 : i32
      %dma_wait3A_67 = arith.constant 0 : i32
      %dma_wait3A_68 = tpu.memref_slice %arg2[%add3A, %dma_wait3A, %dma_wait3A_67] : memref<32x80x125xi32, #tpu.memory_space<hbm>> -> memref<1x80x125xi32, #tpu.memory_space<hbm>>
      %dma_wait3A_69 = tpu.memref_squeeze %dma_wait3A_68 : memref<1x80x125xi32, #tpu.memory_space<hbm>> -> memref<80x125xi32, #tpu.memory_space<hbm>>
      %dma_wait3A_70 = arith.constant 0 : i32
      %dma_wait3A_71 = arith.constant 0 : i32
      %dma_wait3A_72 = tpu.memref_slice %arg2[%add3A, %dma_wait3A_70, %dma_wait3A_71] : memref<32x80x125xi32, #tpu.memory_space<hbm>> -> memref<1x80x125xi32, #tpu.memory_space<hbm>>
      %dma_wait3A_73 = tpu.memref_squeeze %dma_wait3A_72 : memref<1x80x125xi32, #tpu.memory_space<hbm>> -> memref<80x125xi32, #tpu.memory_space<hbm>>
      tpu.wait_dma2 semaphore(%run_scoped3A : memref<!tpu.dma_semaphore, #tpu.memory_space<semaphore_mem>>) src(%dma_wait3A_73 : memref<80x125xi32, #tpu.memory_space<hbm>>) dst(%arg5 : memref<80x125xi32, #tpu.memory_space<vmem>>)
      tpu.yield
    }) : () -> ()
    %barrier3A = arith.constant 0 : index
    tpu.barrier barrier_id(%barrier3A)
    %scan3A = arith.constant 0 : i32
    %scan3A_49 = arith.constant 0 : i32
    %scan3A_50 = arith.constant 80 : i32
    %scan3A_51 = arith.addi %scan3A_49, %scan3A_50 : i32
    %scan3A_52 = arith.constant 1 : i32
    scf.for %scan3A_60 = %scan3A_49 to %scan3A_51 step %scan3A_52  : i32 {
      "tpu.region"() ({
        %run_scoped3A = tpu.sem_alloc : memref<!tpu.dma_semaphore, #tpu.memory_space<semaphore_mem>>
        %dma_start3A = arith.constant 0 : i32
        %dma_start3A_61 = tpu.memref_slice %arg6[%dma_start3A] : memref<128xf32, #tpu.memory_space<vmem>> -> memref<125xf32, #tpu.memory_space<vmem>>
        %dma_start3A_62 = arith.constant 0 : i32
        %dma_start3A_63 = tpu.memref_slice %arg5[%scan3A_60, %dma_start3A_62] : memref<80x125xi32, #tpu.memory_space<vmem>> -> memref<1x125xi32, #tpu.memory_space<vmem>>
        %dma_start3A_64 = tpu.memref_squeeze %dma_start3A_63 : memref<1x125xi32, #tpu.memory_space<vmem>> -> memref<125xi32, #tpu.memory_space<vmem>>
        %dma_start3A_65 = arith.constant 0 : i32
        %dma_start3A_66 = tpu.memref_slice %arg7[%dma_start3A_65] : memref<10000xf32, #tpu.memory_space<vmem_shared>> -> memref<10000xf32, #tpu.memory_space<vmem_shared>>
        tpu.enqueue_indirect_dma source(%dma_start3A_61 : memref<125xf32, #tpu.memory_space<vmem>>) target(%dma_start3A_66 : memref<10000xf32, #tpu.memory_space<vmem_shared>>) offsets(%dma_start3A_64 : memref<125xi32, #tpu.memory_space<vmem>>) semaphore(%run_scoped3A : memref<!tpu.dma_semaphore, #tpu.memory_space<semaphore_mem>>) {add = true}
        %dma_wait3A = arith.constant 0 : i32
        %dma_wait3A_67 = tpu.memref_slice %arg6[%dma_wait3A] : memref<128xf32, #tpu.memory_space<vmem>> -> memref<125xf32, #tpu.memory_space<vmem>>
        %dma_wait3A_68 = arith.constant 0 : i32
        %dma_wait3A_69 = tpu.memref_slice %arg5[%scan3A_60, %dma_wait3A_68] : memref<80x125xi32, #tpu.memory_space<vmem>> -> memref<1x125xi32, #tpu.memory_space<vmem>>
        %dma_wait3A_70 = tpu.memref_squeeze %dma_wait3A_69 : memref<1x125xi32, #tpu.memory_space<vmem>> -> memref<125xi32, #tpu.memory_space<vmem>>
        %dma_wait3A_71 = arith.constant 0 : i32
        %dma_wait3A_72 = tpu.memref_slice %arg7[%dma_wait3A_71] : memref<10000xf32, #tpu.memory_space<vmem_shared>> -> memref<10000xf32, #tpu.memory_space<vmem_shared>>
        tpu.wait_indirect_dma semaphore(%run_scoped3A : memref<!tpu.dma_semaphore, #tpu.memory_space<semaphore_mem>>) src(%dma_wait3A_67 : memref<125xf32, #tpu.memory_space<vmem>>) dst(%dma_wait3A_72 : memref<10000xf32, #tpu.memory_space<vmem_shared>>)
        tpu.yield
      }) : () -> ()
    }
    %scan3A_53 = arith.constant 80 : i32
    %barrier3A_54 = arith.constant 0 : index
    tpu.barrier barrier_id(%barrier3A_54)
    %eq3A_55 = arith.constant 0 : i32
    %eq3A_56 = arith.cmpi eq, %arg1, %eq3A_55 : i32
    %convert_element_type3A_57 = arith.extui %eq3A_56 : i1 to i32
    %cond3A_58 = arith.constant 0 : i32
    %cond3A_59 = arith.cmpi ne, %convert_element_type3A_57, %cond3A_58 : i32
    scf.if %cond3A_59 {
      "tpu.region"() ({
        %run_scoped3A = tpu.sem_alloc : memref<!tpu.dma_semaphore, #tpu.memory_space<semaphore_mem>>
        %dma_start3A = arith.constant 0 : i32
        %dma_start3A_60 = tpu.memref_slice %arg4[%arg0, %dma_start3A] : memref<2x10000xf32, #tpu.memory_space<hbm>> -> memref<1x10000xf32, #tpu.memory_space<hbm>>
        %dma_start3A_61 = tpu.memref_squeeze %dma_start3A_60 : memref<1x10000xf32, #tpu.memory_space<hbm>> -> memref<10000xf32, #tpu.memory_space<hbm>>
        tpu.enqueue_dma source(%arg7 : memref<10000xf32, #tpu.memory_space<vmem_shared>>) target(%dma_start3A_61 : memref<10000xf32, #tpu.memory_space<hbm>>) target_semaphore(%run_scoped3A : memref<!tpu.dma_semaphore, #tpu.memory_space<semaphore_mem>>)
        %dma_wait3A = arith.constant 0 : i32
        %dma_wait3A_62 = tpu.memref_slice %arg4[%arg0, %dma_wait3A] : memref<2x10000xf32, #tpu.memory_space<hbm>> -> memref<1x10000xf32, #tpu.memory_space<hbm>>
        %dma_wait3A_63 = tpu.memref_squeeze %dma_wait3A_62 : memref<1x10000xf32, #tpu.memory_space<hbm>> -> memref<10000xf32, #tpu.memory_space<hbm>>
        tpu.wait_dma2 semaphore(%run_scoped3A : memref<!tpu.dma_semaphore, #tpu.memory_space<semaphore_mem>>) src(%arg7 : memref<10000xf32, #tpu.memory_space<vmem_shared>>) dst(%dma_wait3A_63 : memref<10000xf32, #tpu.memory_space<hbm>>)
        tpu.yield
      }) : () -> ()
    } else {
    }
    return
  }
}

module attributes {stable_mosaic.version = 14 : i64} {
  func.func @_lin_body(%arg0: i32, %arg1: memref<2000x128xf32, #tpu.memory_space<vmem>>, %arg2: memref<128x128xf32, #tpu.memory_space<vmem>>, %arg3: memref<1x128xf32, #tpu.memory_space<vmem>>, %arg4: memref<2000x128xf32, #tpu.memory_space<vmem>>) attributes {dimension_semantics = [#tpu.dimension_semantics<arbitrary>], iteration_bounds = array<i64: 5>, scalar_prefetch = 0 : i64, scratch_operands = 0 : i64, tpu.core_type = #tpu.core_type<tc>, window_params = [{transform_indices = @transform_0, window_bounds = array<i64: 2000, 128>}, {pipeline_mode = #tpu.pipeline_mode<synchronous>, transform_indices = @transform_1, window_bounds = array<i64: 128, 128>}, {pipeline_mode = #tpu.pipeline_mode<synchronous>, transform_indices = @transform_2, window_bounds = array<i64: 1, 128>}, {transform_indices = @transform_3, window_bounds = array<i64: 2000, 128>}]} {
    %get3A = arith.constant 0 : index
    %get3A_0 = arith.constant 0 : index
    %get3A_1 = vector.load %arg1[%get3A, %get3A_0] : memref<2000x128xf32, #tpu.memory_space<vmem>>, vector<2000x128xf32>
    %get3A_2 = arith.constant 0 : index
    %get3A_3 = arith.constant 0 : index
    %get3A_4 = vector.load %arg2[%get3A_2, %get3A_3] : memref<128x128xf32, #tpu.memory_space<vmem>>, vector<128x128xf32>
    %dot_general3A = arith.constant dense<0.000000e+00> : vector<2000x128xf32>
    %dot_general3A_5 = tpu.matmul %get3A_1, %get3A_4, %dot_general3A {dimension_numbers = #tpu.dot_dimension_numbers<[1], [0], [0], [1], [0, 0, 1, 1], [], []>, transpose_lhs_hint = false} : vector<2000x128xf32>, vector<128x128xf32>, vector<2000x128xf32> -> vector<2000x128xf32>
    %get3A_6 = arith.constant 0 : index
    %get3A_7 = arith.constant 0 : index
    %get3A_8 = vector.load %arg3[%get3A_6, %get3A_7] : memref<1x128xf32, #tpu.memory_space<vmem>>, vector<1x128xf32>
    %add3A = vector.broadcast %get3A_8 : vector<1x128xf32> to vector<2000x128xf32>
    %add3A_9 = arith.addf %dot_general3A_5, %add3A : vector<2000x128xf32>
    %swap3A = arith.constant 0 : index
    %swap3A_10 = arith.constant 0 : index
    %swap3A_11 = vector.load %arg4[%swap3A, %swap3A_10] : memref<2000x128xf32, #tpu.memory_space<vmem>>, vector<2000x128xf32>
    tpu.vector_store %arg4[%swap3A, %swap3A_10], %add3A_9 {strides = array<i32>} : memref<2000x128xf32, #tpu.memory_space<vmem>>, vector<2000x128xf32>,
    return
  }
  func.func @transform_0(%arg0: i32) -> (i32, i32) {
    %c0_i32 = arith.constant 0 : i32
    %c0_i32_0 = arith.constant 0 : i32
    return %arg0, %c0_i32 : i32, i32
  }
  func.func @transform_1(%arg0: i32) -> (i32, i32) {
    %c0_i32 = arith.constant 0 : i32
    %c0_i32_0 = arith.constant 0 : i32
    %c0_i32_1 = arith.constant 0 : i32
    return %c0_i32, %c0_i32_0 : i32, i32
  }
  func.func @transform_2(%arg0: i32) -> (i32, i32) {
    %c0_i32 = arith.constant 0 : i32
    %c0_i32_0 = arith.constant 0 : i32
    %c0_i32_1 = arith.constant 0 : i32
    return %c0_i32, %c0_i32_0 : i32, i32
  }
  func.func @transform_3(%arg0: i32) -> (i32, i32) {
    %c0_i32 = arith.constant 0 : i32
    %c0_i32_0 = arith.constant 0 : i32
    return %arg0, %c0_i32 : i32, i32
  }
}

module attributes {stable_mosaic.version = 14 : i64} {
  func.func @_scale_body(%arg0: i32, %arg1: memref<2000x2xf32, #tpu.memory_space<vmem>>, %arg2: memref<2000x128xf32, #tpu.memory_space<vmem>>, %arg3: memref<2000x128xf32, #tpu.memory_space<vmem>>) attributes {dimension_semantics = [#tpu.dimension_semantics<arbitrary>], iteration_bounds = array<i64: 5>, scalar_prefetch = 0 : i64, scratch_operands = 0 : i64, tpu.core_type = #tpu.core_type<tc>, window_params = [{transform_indices = @transform_0, window_bounds = array<i64: 2000, 2>}, {transform_indices = @transform_1, window_bounds = array<i64: 2000, 128>}, {transform_indices = @transform_2, window_bounds = array<i64: 2000, 128>}]} {
    %get3A = arith.constant 0 : index
    %get3A_0 = arith.constant 0 : index
    %get3A_1 = vector.load %arg1[%get3A, %get3A_0] : memref<2000x2xf32, #tpu.memory_space<vmem>>, vector<2000x1xf32>
    %get3A_2 = arith.constant 0 : index
    %get3A_3 = arith.constant 1 : index
    %get3A_4 = vector.load %arg1[%get3A_2, %get3A_3] : memref<2000x2xf32, #tpu.memory_space<vmem>>, vector<2000x1xf32>
    %add3A = arith.addf %get3A_1, %get3A_4 : vector<2000x1xf32>
    %add3A_5 = arith.constant 1.000000e+00 : f32
    %add3A_6 = vector.broadcast %add3A_5 : f32 to vector<2000x1xf32>
    %add3A_7 = arith.addf %add3A, %add3A_6 : vector<2000x1xf32>
    %get3A_8 = arith.constant 0 : index
    %get3A_9 = arith.constant 0 : index
    %get3A_10 = vector.load %arg2[%get3A_8, %get3A_9] : memref<2000x128xf32, #tpu.memory_space<vmem>>, vector<2000x128xf32>
    %rsqrt3A = math.rsqrt %add3A_7 : vector<2000x1xf32>
    %mul3A = vector.broadcast %rsqrt3A : vector<2000x1xf32> to vector<2000x128xf32>
    %mul3A_11 = arith.mulf %get3A_10, %mul3A : vector<2000x128xf32>
    %swap3A = arith.constant 0 : index
    %swap3A_12 = arith.constant 0 : index
    %swap3A_13 = vector.load %arg3[%swap3A, %swap3A_12] : memref<2000x128xf32, #tpu.memory_space<vmem>>, vector<2000x128xf32>
    tpu.vector_store %arg3[%swap3A, %swap3A_12], %mul3A_11 {strides = array<i32>} : memref<2000x128xf32, #tpu.memory_space<vmem>>, vector<2000x128xf32>,
    return
  }
  func.func @transform_0(%arg0: i32) -> (i32, i32) {
    %c0_i32 = arith.constant 0 : i32
    %c0_i32_0 = arith.constant 0 : i32
    return %arg0, %c0_i32 : i32, i32
  }
  func.func @transform_1(%arg0: i32) -> (i32, i32) {
    %c0_i32 = arith.constant 0 : i32
    %c0_i32_0 = arith.constant 0 : i32
    return %arg0, %c0_i32 : i32, i32
  }
  func.func @transform_2(%arg0: i32) -> (i32, i32) {
    %c0_i32 = arith.constant 0 : i32
    %c0_i32_0 = arith.constant 0 : i32
    return %arg0, %c0_i32 : i32, i32
  }
}

module attributes {stable_mosaic.version = 14 : i64} {
  func.func @_final_body(%arg0: i32, %arg1: memref<2000x2xf32, #tpu.memory_space<vmem>>, %arg2: memref<2x2000x128xf32, #tpu.memory_space<vmem>>, %arg3: memref<2000x128xf32, #tpu.memory_space<vmem>>) attributes {dimension_semantics = [#tpu.dimension_semantics<arbitrary>], iteration_bounds = array<i64: 5>, scalar_prefetch = 0 : i64, scratch_operands = 0 : i64, tpu.core_type = #tpu.core_type<tc>, window_params = [{transform_indices = @transform_0, window_bounds = array<i64: 2000, 2>}, {transform_indices = @transform_1, window_bounds = array<i64: 2, 2000, 128>}, {transform_indices = @transform_2, window_bounds = array<i64: 2000, 128>}]} {
    %get3A = arith.constant 0 : index
    %get3A_0 = arith.constant 0 : index
    %get3A_1 = vector.load %arg1[%get3A, %get3A_0] : memref<2000x2xf32, #tpu.memory_space<vmem>>, vector<2000x1xf32>
    %get3A_2 = arith.constant 0 : index
    %get3A_3 = arith.constant 1 : index
    %get3A_4 = vector.load %arg1[%get3A_2, %get3A_3] : memref<2000x2xf32, #tpu.memory_space<vmem>>, vector<2000x1xf32>
    %add3A = arith.addf %get3A_1, %get3A_4 : vector<2000x1xf32>
    %add3A_5 = arith.constant 1.000000e+00 : f32
    %add3A_6 = vector.broadcast %add3A_5 : f32 to vector<2000x1xf32>
    %add3A_7 = arith.addf %add3A, %add3A_6 : vector<2000x1xf32>
    %rsqrt3A = math.rsqrt %add3A_7 : vector<2000x1xf32>
    %get3A_8 = arith.constant 0 : index
    %get3A_9 = arith.constant 0 : index
    %get3A_10 = arith.constant 0 : index
    %get3A_11 = vector.load %arg2[%get3A_8, %get3A_9, %get3A_10] : memref<2x2000x128xf32, #tpu.memory_space<vmem>>, vector<2x2000x128xf32>
    %slice3A = vector.extract_strided_slice %get3A_11 {offsets = [0, 0, 0], sizes = [1, 2000, 128], strides = [1, 1, 1]} : vector<2x2000x128xf32> to vector<1x2000x128xf32>
    %squeeze3A = vector.shape_cast %slice3A : vector<1x2000x128xf32> to vector<2000x128xf32>
    %slice3A_12 = vector.extract_strided_slice %get3A_11 {offsets = [1, 0, 0], sizes = [1, 2000, 128], strides = [1, 1, 1]} : vector<2x2000x128xf32> to vector<1x2000x128xf32>
    %squeeze3A_13 = vector.shape_cast %slice3A_12 : vector<1x2000x128xf32> to vector<2000x128xf32>
    %add3A_14 = arith.addf %squeeze3A, %squeeze3A_13 : vector<2000x128xf32>
    %mul3A = vector.broadcast %rsqrt3A : vector<2000x1xf32> to vector<2000x128xf32>
    %mul3A_15 = arith.mulf %mul3A, %add3A_14 : vector<2000x128xf32>
    %swap3A = arith.constant 0 : index
    %swap3A_16 = arith.constant 0 : index
    %swap3A_17 = vector.load %arg3[%swap3A, %swap3A_16] : memref<2000x128xf32, #tpu.memory_space<vmem>>, vector<2000x128xf32>
    tpu.vector_store %arg3[%swap3A, %swap3A_16], %mul3A_15 {strides = array<i32>} : memref<2000x128xf32, #tpu.memory_space<vmem>>, vector<2000x128xf32>,
    return
  }
  func.func @transform_0(%arg0: i32) -> (i32, i32) {
    %c0_i32 = arith.constant 0 : i32
    %c0_i32_0 = arith.constant 0 : i32
    return %arg0, %c0_i32 : i32, i32
  }
  func.func @transform_1(%arg0: i32) -> (i32, i32, i32) {
    %c0_i32 = arith.constant 0 : i32
    %c0_i32_0 = arith.constant 0 : i32
    %c0_i32_1 = arith.constant 0 : i32
    return %c0_i32, %arg0, %c0_i32_0 : i32, i32, i32
  }
  func.func @transform_2(%arg0: i32) -> (i32, i32) {
    %c0_i32 = arith.constant 0 : i32
    %c0_i32_0 = arith.constant 0 : i32
    return %arg0, %c0_i32 : i32, i32
  }
}

</mosaic_0001>

<sc_bundles>
// kernel: kernel.10.cloned.1.call-start
scs
__scs_entry_jumppad:
0x0: {  	(pc) =	sbr.rel $0x88, $3  }
0x1: {  	(tag) =	ssettag $0x0;
	lr =	simm.s32 $0x1  }
0x2: {  	[smem:$0x3F9D] =	sst lr;
	_ =	strace $0xD0000000  }
0x3: {  	_ = 	snop  }
0x4: {  	_ = 	snop  }
0x5: {  	_ = 	snop  }
0x6: {  	_ = 	snop  }
0x7: {  	_ = 	snop  }
__scs_overlays_trampoline_lowered:
0x8: {  	[smem:$0x3FAC] =	sst s0  }
0x9: {  	[smem:$0x3FAD] =	sst s1  }
0xa: {  	[smem:$0x3FAE] =	sst s2  }
0xb: {  	[smem:$0x3FAF] =	sst s3  }
0xc: {  	[smem:$0x3FB0] =	sst s4  }
0xd: {  	[smem:$0x3FB1] =	sst s5  }
0xe: {  	[smem:$0x3FB2] =	sst s6  }
0xf: {  	[smem:$0x3FB3] =	sst s7  }
0x10: {  	[smem:$0x3FB4] =	sst s8  }
0x11: {  	[smem:$0x3FB5] =	sst s9;
	s0 =	simm.s32 @!p0 $0x0  }
0x12: {  	s1 =	sld [smem:$0x3F9B];
	s0 =	simm.s32 @p0 $0x1  }
0x13: {  	[smem:$0x3FB6] =	sst s0;
	s0 =	simm.s32 @!p1 $0x0  }
0x14: {  	s2 =	sld [smem:$0x3F9A];
	s0 =	simm.s32 @p1 $0x1  }
0x15: {  	[smem:$0x3FB7] =	sst s0;
	s0 =	simm.s32 @!p2 $0x0  }
0x16: {  	s3 =	sld [smem:$0x3FDB];
	s0 =	simm.s32 @p2 $0x1  }
0x17: {  	s4 =	simm.s32 $0x1BF5;
	[smem:$0x3FB9] =	sst s0  }
0x18: {  	s0 =	sld [smem:$0x3F9C];
	_ =	swait.ge [sflag:s4], $0x0  }
0x19: {  	s7 =	sld [smem:$0x3F9D]  }
0x1a: {  	s8 =	sadd.s32 $0xFFFFE003, lr  }
0x1b: {  	s9 =	sadd.s32 $0xFFFFFEF7, lr;
	s5 =	simm.s32 $0xFFFFFFFF;
	p2 =	slt.u32 s8, $0xFFFFF086  }
0x1c: {  	p1 =	slt.u32 s9, $0xF7A;
	s5 =	simm.s32 @!p2 $0x0  }
0x1d: {  	s5 =	simm.s32 @p1 $0x1;
	p0 =	seq.s32 s7, s2  }
0x1e: {  	s7 =	smul.u32 @!p0 $0xF7A, s2;
	p2 =	seq.s32 @!p0 s5, $0x0  }
0x1f: {  	s9 =	smul.u32 $0xF7A, s1;
	s8 =	simm.s32 @!p0 $0x1BF5;
	p2 =	por !p2, p0  }
0x20: {  	[sflag:s8] =	ssyncset.s32 @!p0 $0xFFFFF086;
	s6 =	sadd.s32 @!p0 s3, s7;
	s7 =	simm.s32 @!p0 $0x108  }
0x21: {  	s3 =	sadd.s32 s3, s9;
	s6 =	sadd.s32 @!p0 $0x88, s6;
	s7 =	simm.s32 @p2 $0x1082  }
0x22: {  	[simem:s7], [sflag:s8] =	dma.local @!p0 [hbm:s6], $0xF7A  }
0x23: {  	s9 =	sor.u32 $0xD0000000, s2;
	s6 =	simm.s32 $0x108;
	_ =	swait.ge @!p0 [sflag:s8], $0x0  }
0x24: {  	s3 =	sadd.s32 $0x88, s3;
	s6 =	simm.s32 @!p1 $0x1082;
	[sflag:s4] =	ssyncset.s32 $0xFFFFF086  }
0x25: {  	[simem:s6], [sflag:s4] =	dma.local [hbm:s3], $0xF7A  }
0x26: {  	[smem:$0x3F9D] =	sst s1;
	(tag) =	ssettag s2;
	_ =	strace s9  }
0x27: {  	s1 =	sld [smem:$0x3FAD]  }
0x28: {  	s2 =	sld [smem:$0x3FAE]  }
0x29: {  	s4 =	sld [smem:$0x3FB0]  }
0x2a: {  	p0 =	seq.s32 s5, $0x0;
	s5 =	sld [smem:$0x3FB1]  }
0x2b: {  	s6 =	sld [smem:$0x3FB2]  }
0x2c: {  	s7 =	sld [smem:$0x3FB3]  }
0x2d: {  	s3 =	simm.s32 $0x108;
	s8 =	sld [smem:$0x3FB4]  }
0x2e: {  	s3 =	simm.s32 @!p0 $0x1082;
	s9 =	sld [smem:$0x3FB5]  }
0x2f: {  	lr =	sadd.s32 s0, s3;
	s0 =	sld [smem:$0x3FAC]  }
0x30: {  	s3 =	sld [smem:$0x3FAF]  }
0x31: {  	[smem:$0x3FB8] =	sst s10  }
0x32: {  	s10 =	sld [smem:$0x3FB6];
	_ =	sdelay $0x3  }
0x33: {  	p0 =	seq.s32 s10, $0x1;
	s10 =	sld [smem:$0x3FB8];
	_ =	sdelay $0x3  }
0x34: {  	[smem:$0x3FB8] =	sst s10  }
0x35: {  	s10 =	sld [smem:$0x3FB7];
	_ =	sdelay $0x3  }
0x36: {  	p1 =	seq.s32 s10, $0x1;
	s10 =	sld [smem:$0x3FB8];
	_ =	sdelay $0x3  }
0x37: {  	[smem:$0x3FB8] =	sst s10  }
0x38: {  	s10 =	sld [smem:$0x3FB9]  }
0x39: {  	_ = 	snop;
	(pc) =	sbr.ind lr, $3  }
0x3a: {  	_ = 	snop  }
0x3b: {  	_ = 	snop  }
0x3c: {  	p2 =	seq.s32 s10, $0x1;
	s10 =	sld [smem:$0x3FB8]  }
0x3d: {  	_ =	shalt  }
0x3e: {  	_ =	shalt  }
0x3f: {  	_ =	shalt  }
0x40: {  	_ =	shalt  }
0x41: {  	_ =	shalt  }
0x42: {  	_ =	shalt  }
0x43: {  	_ =	shalt  }
0x44: {  	_ =	shalt  }
0x45: {  	_ =	shalt  }
0x46: {  	_ =	shalt  }
0x47: {  	_ =	shalt  }
0x48: {  	_ =	shalt  }
0x49: {  	_ =	shalt  }
0x4a: {  	_ =	shalt  }
0x4b: {  	_ =	shalt  }
0x4c: {  	_ =	shalt  }
0x4d: {  	_ =	shalt  }
0x4e: {  	_ =	shalt  }
0x4f: {  	_ =	shalt  }
0x50: {  	_ =	shalt  }
0x51: {  	_ =	shalt  }
0x52: {  	_ =	shalt  }
0x53: {  	_ =	shalt  }
0x54: {  	_ =	shalt  }
0x55: {  	_ =	shalt  }
0x56: {  	_ =	shalt  }
0x57: {  	_ =	shalt  }
0x58: {  	_ =	shalt  }
0x59: {  	_ =	shalt  }
0x5a: {  	_ =	shalt  }
0x5b: {  	_ =	shalt  }
0x5c: {  	_ =	shalt  }
0x5d: {  	_ =	shalt  }
0x5e: {  	_ =	shalt  }
0x5f: {  	_ =	shalt  }
0x60: {  	_ =	shalt  }
0x61: {  	_ =	shalt  }
0x62: {  	_ =	shalt  }
0x63: {  	_ =	shalt  }
0x64: {  	_ =	shalt  }
0x65: {  	_ =	shalt  }
0x66: {  	_ =	shalt  }
0x67: {  	_ =	shalt  }
0x68: {  	_ =	shalt  }
0x69: {  	_ =	shalt  }
0x6a: {  	_ =	shalt  }
0x6b: {  	_ =	shalt  }
0x6c: {  	_ =	shalt  }
0x6d: {  	_ =	shalt  }
0x6e: {  	_ =	shalt  }
0x6f: {  	_ =	shalt  }
0x70: {  	_ =	shalt  }
0x71: {  	_ =	shalt  }
0x72: {  	_ =	shalt  }
0x73: {  	_ =	shalt  }
0x74: {  	_ =	shalt  }
0x75: {  	_ =	shalt  }
0x76: {  	_ =	shalt  }
0x77: {  	_ =	shalt  }
0x78: {  	_ =	shalt  }
0x79: {  	_ =	shalt  }
0x7a: {  	_ =	shalt  }
0x7b: {  	_ =	shalt  }
0x7c: {  	_ =	shalt  }
0x7d: {  	_ =	shalt  }
0x7e: {  	_ =	shalt  }
0x7f: {  	_ =	shalt  }
0x80: {  	_ =	shalt  }
0x81: {  	_ =	shalt  }
0x82: {  	_ =	shalt  }
0x83: {  	_ =	shalt  }
0x84: {  	_ =	shalt  }
0x85: {  	_ =	shalt  }
0x86: {  	_ =	shalt  }
0x87: {  	_ =	shalt  }
.Lfunc_end0:
.L_simem_size_0:
called_computation.1_lowered:
.L_overlay_start_0:
0x88: {  	s2 =	sld [smem:$0x3FD9]  }
0x89: {  	s3 =	sld [smem:$0x3FFE];
	_ =	sdelay $0x1  }
0x8a: {  	s1 =	srdreg.scid  }
0x8b: {  	s0 =	sand.u32 $0x1, s1  }
0x8c: {  	s17 =	sshll.u32 s0, $0xA;
	s2 =	sadd.s32 s3, s2  }
0x8d: {  	s2 =	sadd.s32 s2, s17  }
0x8e: {  	[smem:$0x3FC4] =	sst s2  }
0x8f: {  	_ = 	snop  }
0x90: {  	s2 =	sld [smem:$0x3FD0];
	(tm) =	ssettm $0x1  }
0x91: {  	s18 =	sld [smem:$0x3FFB];
	_ =	sdelay $0x3  }
0x92: {  	_ =	strace s18  }
0x93: {  	s3 =	sld [smem:$0x3FFC];
	_ =	sdelay $0x3  }
0x94: {  	_ =	strace s3  }
0x95: {  	s3 =	sld [smem:$0x3FFD];
	_ =	sdelay $0x3  }
0x96: {  	_ =	strace s3  }
0x97: {  	_ =	strace $0x8FFFFFFF  }
0x98: {  	s19 =	sld [smem:$0x3FDB];
	_ =	sdelay $0x1  }
0x99: {  	s4 =	simm.s32 $_scs_section_size  }
0x9a: {  	s5 =	simm.s32 $_size__tile_overlayer_lowered;
	s6 =	simm.s32 $_tile_overlayer_lowered  }
0x9b: {  	s22 =	simm.s32 $0x1BFF;
	s21 =	sshll.u32 s6, $0x1;
	s3 =	sadd.s32 s4, s19  }
0x9c: {  	s7 =	simm.s32 $0x0;
	s20 =	sshll.u32 s5, $0x1;
	s5 =	sadd.s32 s21, s3  }
0x9d: {  	[timem:s7], [sflag:s22] =	dma.local [hbm:s5], s20  }
0x9e: {  	_ =	swait.ge [sflag:s22], s20  }
0x9f: {  	s4 =	ssub.s32 $0x0, s20;
	[sflag:s22] =	ssyncset.done $0x0  }
0xa0: {  	[sflag:s22] =	ssyncadd.s32 s4;
	_ =	sdelay $0x1  }
0xa1: {  	s23 =	simm.s32 $0x1B8B  }
0xa2: {  	_ =	swait.ge [sflag:s23], $0x1  }
0xa3: {  	[sflag:s23] =	ssyncset.done $0x0  }
0xa4: {  	s25 =	simm.s32 $0x1B8E;
	s24 =	sld [smem:$0x3FFE];
	[sflag:s23] =	ssyncadd.s32 $0xFFFFFFFF  }
0xa5: {  	s26 =	simm.s32 $execute0_lowered;
	[smem:$0x3FD2] =	sst s25  }
0xa6: {  	s5 =	sshll.u32 s26, $0x1;
	_ =	strace $0x80000049;
	[dreg:$0x1] =	wrdreg $0xFFFFFFFF  }
0xa7: {  	s28 =	simm.s32 $_size_execute0_lowered;
	s3 =	sadd.s32 s3, s5;
	[dreg:$0x0] =	wrdreg $0x0  }
0xa8: {  	s5 =	sshll.u32 s28, $0x1;
	[dreg:$0x2] =	wrdreg s3  }
0xa9: {  	[dreg:$0x3] =	wrdreg s5  }
0xaa: {  	[dreg:$0x4] =	wrdreg $0xC0  }
0xab: {  	_ =	task [dreg:s7], $0x5FFFF  }
0xac: {  	[dreg:$0x1] =	wrdreg $0xFFFFFFFF  }
0xad: {  	[dreg:$0x0] =	wrdreg $0x60  }
0xae: {  	[dreg:$0x2] =	wrdreg s2  }
0xaf: {  	[dreg:$0x3] =	wrdreg s24  }
0xb0: {  	[dreg:$0x4] =	wrdreg $0x84000  }
0xb1: {  	[dreg:$0x5] =	wrdreg $0x9  }
0xb2: {  	_ =	task.clear_ibuf [dreg:s7], $0x6FFFF;
	_ =	strace $0x90000049  }
0xb3: {  	s29 =	simm.s32 $0x9;
	_ =	strace $0x8000004B  }
0xb4: {  	_ =	swait.ge [sflag:s29], $0x1  }
0xb5: {  	[sflag:s29] =	ssyncadd.s32 $0xFFFFFFFF  }
0xb6: {  	_ =	strace $0x9000004B  }
0xb7: {  	_ =	sfence  }
0xb8: {  	s30 =	sld [smem:$0x0];
	_ =	sdelay $0x2  }
0xb9: {  	s31 =	sshll.u32 s1, $0xD;
	s1 =	sshrl.u32 s1, $0x2  }
0xba: {  	s3 =	sand.u32 $0x4000, s31;
	s1 =	sadd.s32 s1, s30  }
0xbb: {  	s0 =	sor.u32 s3, s0;
	s1 =	sshll.u32 s1, $0x11  }
0xbc: {  	s0 =	sor.u32 s1, s0  }
0xbd: {  	s0 =	sadd.s32 $0x8F2B, s0  }
0xbe: {  	[sflag:s0] =	ssyncadd.remote.s32 $0x1  }
0xbf: {  	_ =	sfence.sel $0xFFFF  }
0xc0: {  	[dreg:$0x0] =	wrdreg $0xFFFFFFFF;
	(pc) =	sbr.abs _section_cstart, $3  }
0xc1: {  	[dreg:$0x1] =	wrdreg $0xFFFFFFFF  }
0xc2: {  	_ =	task.clear_ibuf [dreg:s7], $0x2FFFF;
	_ =	strace $0x9FFFFFFF  }
0xc3: {  	(tm) =	ssettm $0x7FFFFFFF  }
tec
execute0_lowered:
.L_overlay_start_1:
0x0: {  	(tag) =	ssettag $0x1  }
0x1: {  	s1 =	rddreg [dreg:$0x0]  }
0x2: {  	s4 =	rddreg [dreg:$0x1]  }
0x3: {  	s2 =	rddreg [dreg:$0x2];
	s3 =	simm.s32 $0x0;
	s0 =	srdreg.scid  }
0x4: {  	s16 =	stileid.u32;
	s28 =	simm.s32 $0x2;
	s29 =	simm.s32 $0x4400  }
0x5: {  	s30 =	simm.s32 $0x5;
	s31 =	simm.s32 $0x7;
	[smem:$0x7FF] =	sst s3  }
0x6: {  	s6 =	sand.u32 $0x1, s0;
	s0 =	sadd.s32 $0xC00, s4;
	s7 =	smul.u32 $0x1F400, s16  }
0x7: {  	s8 =	sshll.u32 s16, $0x1;
	s9 =	sadd.s32 $0xAA00, s4;
	s17 =	smul.u32 $0x7D000, s16  }
0x8: {  	s10 =	sadd.s32 $0x14800, s4;
	p0 =	slt.u32 s16, $0x2;
	s13 =	smul.u32 $0x9C, s16  }
0x9: {  	p1 =	sgt.u32 s16, $0x1;
	_ =	strace $0x8000004A;
	s5 =	smul.u32 $0x138800, s6  }
0xa: {  	s8 =	sor.u32 s6, s8;
	s15 =	ssub.s32 $0x2, s6;
	s14 =	smul.u32 $0x4E, s6  }
0xb: {  	s11 =	smul.u32 $0x4E, s8;
	s12 =	sshrl.u32 s15, $0x1;
	s8 =	smin.u32 s8, $0x4  }
0xc: {  	s5 =	sadd.s32 s7, s5;
	s7 =	ssub.s32 s15, s12;
	s12 =	sshrl.u32 s17, $0x2  }
0xd: {  	s13 =	sadd.s32 s14, s13;
	s5 =	sshrl.u32 s5, $0x3;
	s11 =	sadd.s32 s8, s11  }
0xe: {  	s8 =	sadd.s32 s8, s13;
	s7 =	smax.u32 s7, $0x1;
	s4 =	sadd.s32 s5, s4  }
0xf: {  	s5 =	simm.s32 $0x4F;
	s11 =	sshll.u32 s11, $0x4;
	s8 =	sshll.u32 s8, $0x4  }
0x10: {  	[dreg:$0x15] =	wrdreg s7;
	s7 =	smov.u32 s1;
	s15 =	sadd.s32 s0, s11  }
0x11: {  	s5 =	simm.s32 @!p0 $0x4E;
	s18 =	sadd.s32 s9, s11;
	[dreg:$0xc] =	wrdreg s15  }
0x12: {  	s19 =	sadd.s32 $0x10, s11;
	s4 =	sadd.s32 $0x3BA00, s4;
	[dreg:$0xd] =	wrdreg s18  }
0x13: {  	p0 =	seq.s32 s6, $0x1;
	s20 =	sadd.s32 s0, s19;
	[dreg:$0x14] =	wrdreg s4  }
0x14: {  	s21 =	sadd.s32 $0x20, s11;
	s22 =	sadd.s32 s9, s19;
	[dreg:$0xe] =	wrdreg s20  }
0x15: {  	s6 =	sadd.s32 s12, s2;
	s23 =	sadd.s32 s0, s21;
	[dreg:$0xf] =	wrdreg s22  }
0x16: {  	s11 =	sadd.s32 $0x30, s11;
	s24 =	sadd.s32 s9, s21;
	[dreg:$0x10] =	wrdreg s23  }
0x17: {  	s12 =	smul.u32 $0x3E80, s16;
	s26 =	sadd.s32 s0, s11;
	[dreg:$0x11] =	wrdreg s24  }
0x18: {  	s25 =	sadd.s32 $0x50, s8;
	s11 =	sadd.s32 s9, s11;
	[dreg:$0x12] =	wrdreg s26  }
0x19: {  	s15 =	sadd.s32 s25, s9;
	s17 =	sadd.s32 s25, s0;
	[dreg:$0x13] =	wrdreg s11  }
0x1a: {  	s18 =	sadd.s32 s8, s9;
	s7 =	smov.u32 @p0 s10;
	[dreg:$0x4] =	wrdreg s15  }
0x1b: {  	p0 =	sgt.u32 s16, $0x9;
	s4 =	simm.s32 $0x4;
	[dreg:$0x5] =	wrdreg s17  }
0x1c: {  	s19 =	sadd.s32 $0x40, s18;
	s20 =	sadd.s32 s8, s0;
	s22 =	sadd.s32 $0x60, s8  }
0x1d: {  	s8 =	sadd.s32 $0x70, s8;
	s26 =	sadd.s32 s7, s12;
	s18 =	simm.s32 $0x80  }
0x1e: {  	s15 =	simm.s32 $0x6;
	s7 =	simm.s32 $0x0;
	[dreg:$0x6] =	wrdreg s19  }
0x1f: {  	s21 =	sadd.s32 $0x40, s20;
	s23 =	sadd.s32 s22, s9;
	[dreg:$0x16] =	wrdreg s26  }
0x20: {  	s24 =	sadd.s32 s22, s0;
	s25 =	sadd.s32 s8, s9;
	[dreg:$0x7] =	wrdreg s21  }
.Ltmp0:
0x21: {  	s0 =	sadd.s32 s8, s0;
	[dreg:$0x8] =	wrdreg s23;
	(pc) =	sbr.rel .LBB2_1-.Ltmp0, $4  }
0x22: {  	s19 =	simm.s32 $0x100;
	s20 =	simm.s32 $0x180;
	[dreg:$0x9] =	wrdreg s24  }
0x23: {  	s22 =	simm.s32 $0x280;
	s26 =	simm.s32 $0x400;
	[dreg:$0xa] =	wrdreg s25  }
0x24: {  	[dreg:$0xb] =	wrdreg s0;
	s21 =	simm.s32 $0x200;
	s23 =	simm.s32 $0x300  }
0x25: {  	s24 =	simm.s32 $0x380;
	s25 =	simm.s32 $0x1;
	s0 =	simm.s32 $0x3  }
.LBB2_4:
0x26: {  	_ =	swait.ge [sflag:s0], $0x80  }
0x27: {  	[sflag:s0] =	ssyncset.done $0x0  }
0x28: {  	[sflag:s0] =	ssyncadd.s32 $0xFFFFFF80  }
0x29: {  	_ =	swait.ge [sflag:s0], $0x80  }
0x2a: {  	[sflag:s0] =	ssyncset.done $0x0  }
0x2b: {  	[sflag:s0] =	ssyncadd.s32 $0xFFFFFF80  }
0x2c: {  	[tilespmem:s26], [sflag:$0x5] =	stream.indirect.gather [hbm4b:s1+s18], $0x80, s22, s18, $0xb8;
	[tilespmem:$0x1BC80] =	vst v63  }
0x2d: {  	_ =	swait.ge [sflag:s15], $0x4000  }
0x2e: {  	[sflag:s15] =	ssyncset.done $0x0  }
0x2f: {  	[sflag:s15] =	ssyncadd.s32 $0xFFFFC000  }
0x30: {  	[spmem:s2] =	stream.indirect.scatter.add.f32 [tilespmem:s29], [sflag:$0x7], $0x80, s19, s18, $0xb8;
	[tilespmem:$0x1BC80] =	vst v63  }
0x31: {  	_ =	swait.ge [sflag:s31], $0x4000  }
0x32: {  	[sflag:s31] =	ssyncset.done $0x0  }
0x33: {  	[sflag:s31] =	ssyncadd.s32 $0xFFFFC000  }
0x34: {  	_ =	swait.ge [sflag:s30], $0x4000  }
0x35: {  	[sflag:s30] =	ssyncset.done $0x0  }
0x36: {  	[sflag:s30] =	ssyncadd.s32 $0xFFFFC000  }
0x37: {  	[spmem:s2] =	stream.indirect.scatter.add.f32 [tilespmem:s26], [sflag:$0x7], $0x80, s21, s18, $0xb8;
	[tilespmem:$0x1BC80] =	vst v63  }
0x38: {  	_ =	swait.ge [sflag:s31], $0x4000  }
0x39: {  	[sflag:s31] =	ssyncset.done $0x0  }
0x3a: {  	[sflag:s31] =	ssyncadd.s32 $0xFFFFC000  }
0x3b: {  	[bflag:$0x0] =	sbarrier.arrive $0xFFFF  }
.LBB2_6:
0x3c: {  	s8 =	stileid.u32  }
0x3d: {  	s8 =	sshll.u32 s8, $0x6  }
0x3e: {  	s9 =	sshrl.u32 s6, $0x3;
	s10 =	rddreg [dreg:$0x14];
	s8 =	sor.u32 $0x1C07, s8  }
0x3f: {  	[hbm:s10], [sflag:s8] =	dma.local [spmem:s9], $0x3E80  }
0x40: {  	_ =	swait.ge [sflag:s31], $0x3E80  }
0x41: {  	[sflag:s31] =	ssyncset.done $0x0  }
0x42: {  	[sflag:s31] =	ssyncadd.s32 $0xFFFFC180  }
.LBB2_7:
0x43: {  	s7 =	sadd.s32 $0x1, s7;
	s8 =	rddreg [dreg:$0x15]  }
0x44: {  	p2 =	sne.s32 s7, s8  }
.Ltmp1:
0x45: {  	_ = 	snop;
	(pc) =	sbr.rel @!p2 .LBB2_8-.Ltmp1, $1  }
0x46: {  	_ =	sdelay $0x3  }
.LBB2_1:
0x47: {  	s8 =	stileid.u32  }
0x48: {  	s8 =	sshll.u32 @!p0 s8, $0x6  }
0x49: {  	s9 =	sshrl.u32 @!p0 s6, $0x3;
	s10 =	rddreg [dreg:$0x16];
	s8 =	sor.u32 @!p0 $0x1C07, s8  }
0x4a: {  	[spmem:s9], [sflag:s8] =	dma.local @!p0 [hbm:s10], $0x3E80  }
0x4b: {  	s8 =	simm.s32 @!p0 $0x7  }
0x4c: {  	_ =	swait.ge @!p0 [sflag:s8], $0x3E80  }
0x4d: {  	[sflag:s8] =	ssyncset.done @!p0 $0x0  }
0x4e: {  	[sflag:s8] =	ssyncadd.s32 @!p0 $0xFFFFC180  }
0x4f: {  	[bflag:$0x0] =	sbarrier.arrive $0xFFFF  }
0x50: {  	s11 =	rddreg [dreg:$0xc]  }
0x51: {  	[tilespmem:s3], [sflag:$0x1] =	stream.linear.gather [hbm4b:s11+s3], $0x80, $0x38;
	[tilespmem:$0x1BC80] =	vst v63  }
0x52: {  	s12 =	rddreg [dreg:$0xd]  }
0x53: {  	[tilespmem:s18], [sflag:$0x1] =	stream.linear.gather [hbm4b:s12+s3], $0x80, $0x38;
	[tilespmem:$0x1BC80] =	vst v63  }
0x54: {  	s13 =	rddreg [dreg:$0xe]  }
0x55: {  	[tilespmem:s19], [sflag:$0x2] =	stream.linear.gather [hbm4b:s13+s3], $0x80, $0x38;
	[tilespmem:$0x1BC80] =	vst v63  }
0x56: {  	s14 =	rddreg [dreg:$0xf]  }
0x57: {  	[tilespmem:s20], [sflag:$0x2] =	stream.linear.gather [hbm4b:s14+s3], $0x80, $0x38;
	[tilespmem:$0x1BC80] =	vst v63  }
0x58: {  	s16 =	rddreg [dreg:$0x10]  }
0x59: {  	[tilespmem:s21], [sflag:$0x3] =	stream.linear.gather [hbm4b:s16+s3], $0x80, $0x38;
	[tilespmem:$0x1BC80] =	vst v63  }
0x5a: {  	s17 =	rddreg [dreg:$0x11]  }
0x5b: {  	[tilespmem:s22], [sflag:$0x3] =	stream.linear.gather [hbm4b:s17+s3], $0x80, $0x38;
	[tilespmem:$0x1BC80] =	vst v63  }
0x5c: {  	s9 =	rddreg [dreg:$0x12]  }
0x5d: {  	[tilespmem:s23], [sflag:$0x4] =	stream.linear.gather [hbm4b:s9+s3], $0x80, $0x38;
	[tilespmem:$0x1BC80] =	vst v63  }
0x5e: {  	s10 =	rddreg [dreg:$0x13]  }
0x5f: {  	[tilespmem:s24], [sflag:$0x4] =	stream.linear.gather [hbm4b:s10+s3], $0x80, $0x38;
	[tilespmem:$0x1BC80] =	vst v63  }
0x60: {  	_ =	swait.ge [sflag:s25], $0x80  }
0x61: {  	[sflag:s25] =	ssyncset.done $0x0  }
0x62: {  	[sflag:s25] =	ssyncadd.s32 $0xFFFFFF80  }
0x63: {  	_ =	swait.ge [sflag:s25], $0x80  }
0x64: {  	[sflag:s25] =	ssyncset.done $0x0  }
0x65: {  	[sflag:s25] =	ssyncadd.s32 $0xFFFFFF80  }
0x66: {  	[tilespmem:s26], [sflag:$0x5] =	stream.indirect.gather [hbm4b:s1+s18], $0x80, s18, s18, $0xb8;
	[tilespmem:$0x1BC80] =	vst v63  }
0x67: {  	_ =	swait.ge [sflag:s28], $0x80  }
0x68: {  	[sflag:s28] =	ssyncset.done $0x0  }
0x69: {  	[sflag:s28] =	ssyncadd.s32 $0xFFFFFF80  }
0x6a: {  	_ =	swait.ge [sflag:s28], $0x80  }
0x6b: {  	[sflag:s28] =	ssyncset.done $0x0  }
0x6c: {  	[sflag:s28] =	ssyncadd.s32 $0xFFFFFF80  }
0x6d: {  	[tilespmem:s29], [sflag:$0x6] =	stream.indirect.gather [hbm4b:s1+s18], $0x80, s20, s18, $0xb8;
	[tilespmem:$0x1BC80] =	vst v63  }
0x6e: {  	_ =	swait.ge [sflag:s30], $0x4000  }
0x6f: {  	[sflag:s30] =	ssyncset.done $0x0  }
0x70: {  	[sflag:s30] =	ssyncadd.s32 $0xFFFFC000  }
0x71: {  	[spmem:s2] =	stream.indirect.scatter.add.f32 [tilespmem:s26], [sflag:$0x7], $0x80, s3, s18, $0xb8;
	[tilespmem:$0x1BC80] =	vst v63  }
0x72: {  	_ =	swait.ge [sflag:s31], $0x4000  }
0x73: {  	[sflag:s31] =	ssyncset.done $0x0  }
0x74: {  	[sflag:s31] =	ssyncadd.s32 $0xFFFFC000  }
0x75: {  	_ =	swait.ge [sflag:s0], $0x80  }
0x76: {  	[sflag:s0] =	ssyncset.done $0x0  }
0x77: {  	[sflag:s0] =	ssyncadd.s32 $0xFFFFFF80  }
0x78: {  	_ =	swait.ge [sflag:s0], $0x80  }
0x79: {  	[sflag:s0] =	ssyncset.done $0x0  }
0x7a: {  	s11 =	rddreg [dreg:$0x7];
	[sflag:s0] =	ssyncadd.s32 $0xFFFFFF80  }
0x7b: {  	[tilespmem:s26], [sflag:$0x5] =	stream.indirect.gather [hbm4b:s1+s18], $0x80, s22, s18, $0xb8;
	[tilespmem:$0x1BC80] =	vst v63  }
0x7c: {  	s12 =	rddreg [dreg:$0x6];
	s8 =	sadd.s32 $0x0, s11  }
0x7d: {  	[tilespmem:s3], [sflag:$0x1] =	stream.linear.gather [hbm4b:s8+s3], $0x80, $0x38;
	[tilespmem:$0x1BC80] =	vst v63  }
0x7e: {  	s13 =	sadd.s32 $0x0, s12  }
0x7f: {  	[tilespmem:s18], [sflag:$0x1] =	stream.linear.gather [hbm4b:s13+s3], $0x80, $0x38;
	[tilespmem:$0x1BC80] =	vst v63  }
0x80: {  	_ =	swait.ge [sflag:s15], $0x4000  }
0x81: {  	[sflag:s15] =	ssyncset.done $0x0  }
0x82: {  	[sflag:s15] =	ssyncadd.s32 $0xFFFFC000  }
0x83: {  	[spmem:s2] =	stream.indirect.scatter.add.f32 [tilespmem:s29], [sflag:$0x7], $0x80, s19, s18, $0xb8;
	[tilespmem:$0x1BC80] =	vst v63  }
0x84: {  	_ =	swait.ge [sflag:s31], $0x4000  }
0x85: {  	[sflag:s31] =	ssyncset.done $0x0  }
0x86: {  	[sflag:s31] =	ssyncadd.s32 $0xFFFFC000  }
0x87: {  	_ =	swait.ge [sflag:s4], $0x80  }
0x88: {  	[sflag:s4] =	ssyncset.done $0x0  }
0x89: {  	[sflag:s4] =	ssyncadd.s32 $0xFFFFFF80  }
0x8a: {  	_ =	swait.ge [sflag:s4], $0x80  }
0x8b: {  	[sflag:s4] =	ssyncset.done $0x0  }
0x8c: {  	s14 =	rddreg [dreg:$0x5];
	[sflag:s4] =	ssyncadd.s32 $0xFFFFFF80  }
0x8d: {  	[tilespmem:s29], [sflag:$0x6] =	stream.indirect.gather [hbm4b:s1+s18], $0x80, s24, s18, $0xb8;
	[tilespmem:$0x1BC80] =	vst v63  }
0x8e: {  	s16 =	rddreg [dreg:$0x4];
	s8 =	sadd.s32 $0x0, s14  }
0x8f: {  	[tilespmem:s19], [sflag:$0x2] =	stream.linear.gather [hbm4b:s8+s3], $0x80, $0x38;
	[tilespmem:$0x1BC80] =	vst v63  }
0x90: {  	s17 =	sadd.s32 $0x0, s16  }
0x91: {  	[tilespmem:s20], [sflag:$0x2] =	stream.linear.gather [hbm4b:s17+s3], $0x80, $0x38;
	[tilespmem:$0x1BC80] =	vst v63  }
0x92: {  	_ =	swait.ge [sflag:s30], $0x4000  }
0x93: {  	[sflag:s30] =	ssyncset.done $0x0  }
0x94: {  	[sflag:s30] =	ssyncadd.s32 $0xFFFFC000  }
0x95: {  	[spmem:s2] =	stream.indirect.scatter.add.f32 [tilespmem:s26], [sflag:$0x7], $0x80, s21, s18, $0xb8;
	[tilespmem:$0x1BC80] =	vst v63  }
0x96: {  	_ =	swait.ge [sflag:s31], $0x4000  }
0x97: {  	[sflag:s31] =	ssyncset.done $0x0  }
0x98: {  	[sflag:s31] =	ssyncadd.s32 $0xFFFFC000  }
0x99: {  	_ =	swait.ge [sflag:s25], $0x80  }
0x9a: {  	[sflag:s25] =	ssyncset.done $0x0  }
0x9b: {  	[sflag:s25] =	ssyncadd.s32 $0xFFFFFF80  }
0x9c: {  	_ =	swait.ge [sflag:s25], $0x80  }
0x9d: {  	p2 =	sle.u32 s5, $0x6;
	[sflag:s25] =	ssyncset.done $0x0  }
0x9e: {  	s10 =	simm.s32 @!p2 $0x0;
	s8 =	rddreg [dreg:$0x9];
	[sflag:s25] =	ssyncadd.s32 $0xFFFFFF80  }
0x9f: {  	[tilespmem:s26], [sflag:$0x5] =	stream.indirect.gather [hbm4b:s1+s18], $0x80, s18, s18, $0xb8;
	[tilespmem:$0x1BC80] =	vst v63  }
0xa0: {  	s11 =	simm.s32 @!p2 $0x200;
	s9 =	rddreg [dreg:$0x8];
	s8 =	sadd.s32 @!p2 $0x0, s8  }
0xa1: {  	[tilespmem:s11], [sflag:$0x3] =	stream.linear.gather @!p2 [hbm4b:s8+s10], $0x80, $0x38;
	[tilespmem:$0x1BC80] =	vst v63  }
0xa2: {  	s9 =	sadd.s32 @!p2 $0x0, s9;
	s8 =	simm.s32 @!p2 $0x280  }
0xa3: {  	[tilespmem:s8], [sflag:$0x3] =	stream.linear.gather @!p2 [hbm4b:s9+s10], $0x80, $0x38;
	[tilespmem:$0x1BC80] =	vst v63  }
0xa4: {  	_ =	swait.ge [sflag:s15], $0x4000  }
0xa5: {  	[sflag:s15] =	ssyncset.done $0x0  }
0xa6: {  	[sflag:s15] =	ssyncadd.s32 $0xFFFFC000  }
0xa7: {  	[spmem:s2] =	stream.indirect.scatter.add.f32 [tilespmem:s29], [sflag:$0x7], $0x80, s23, s18, $0xb8;
	[tilespmem:$0x1BC80] =	vst v63  }
0xa8: {  	_ =	swait.ge [sflag:s31], $0x4000  }
0xa9: {  	[sflag:s31] =	ssyncset.done $0x0  }
0xaa: {  	[sflag:s31] =	ssyncadd.s32 $0xFFFFC000  }
0xab: {  	_ =	swait.ge [sflag:s28], $0x80  }
0xac: {  	[sflag:s28] =	ssyncset.done $0x0  }
0xad: {  	p3 =	sle.u32 s5, $0x7;
	[sflag:s28] =	ssyncadd.s32 $0xFFFFFF80  }
0xae: {  	s13 =	simm.s32 @!p3 $0x0;
	_ =	swait.ge [sflag:s28], $0x80  }
0xaf: {  	s14 =	simm.s32 @!p3 $0x300;
	s8 =	simm.s32 $0x40;
	s10 =	rddreg [dreg:$0xb]  }
0xb0: {  	s9 =	simm.s32 $0xB;
	[sflag:s28] =	ssyncset.done $0x0;
	s12 =	rddreg [dreg:$0xa]  }
0xb1: {  	[sflag:s28] =	ssyncadd.s32 $0xFFFFFF80;
	s11 =	sadd.s32 @!p3 $0x0, s10;
	s10 =	simm.s32 $0x0  }
0xb2: {  	[tilespmem:s29], [sflag:$0x6] =	stream.indirect.gather [hbm4b:s1+s18], $0x80, s20, s18, $0xb8;
	[tilespmem:$0x1BC80] =	vst v63  }
.LBB2_2:
0xb3: {  	[tilespmem:s14], [sflag:$0x4] =	stream.linear.gather @!p3 [hbm4b:s11+s13], $0x80, $0x38;
	[tilespmem:$0x1BC80] =	vst v63  }
0xb4: {  	s10 =	sadd.s32 @!p3 s10, s12;
	s12 =	simm.s32 @!p3 $0x380  }
0xb5: {  	[tilespmem:s12], [sflag:$0x4] =	stream.linear.gather @!p3 [hbm4b:s10+s13], $0x80, $0x38;
	[tilespmem:$0x1BC80] =	vst v63  }
0xb6: {  	_ =	swait.ge [sflag:s30], $0x4000  }
0xb7: {  	[sflag:s30] =	ssyncset.done $0x0  }
0xb8: {  	[sflag:s30] =	ssyncadd.s32 $0xFFFFC000  }
0xb9: {  	[spmem:s2] =	stream.indirect.scatter.add.f32 [tilespmem:s26], [sflag:$0x7], $0x80, s3, s18, $0xb8;
	[tilespmem:$0x1BC80] =	vst v63  }
0xba: {  	_ =	swait.ge [sflag:s31], $0x4000  }
0xbb: {  	[sflag:s31] =	ssyncset.done $0x0  }
0xbc: {  	[sflag:s31] =	ssyncadd.s32 $0xFFFFC000  }
0xbd: {  	_ =	swait.ge [sflag:s0], $0x80  }
0xbe: {  	[sflag:s0] =	ssyncset.done $0x0  }
0xbf: {  	[sflag:s0] =	ssyncadd.s32 $0xFFFFFF80  }
0xc0: {  	_ =	swait.ge [sflag:s0], $0x80  }
0xc1: {  	s17 =	smov.u32 s8;
	[sflag:s0] =	ssyncset.done $0x0  }
0xc2: {  	s10 =	smov.u32 s17;
	s14 =	rddreg [dreg:$0x7];
	[sflag:s0] =	ssyncadd.s32 $0xFFFFFF80  }
0xc3: {  	[tilespmem:s26], [sflag:$0x5] =	stream.indirect.gather [hbm4b:s1+s18], $0x80, s22, s18, $0xb8;
	[tilespmem:$0x1BC80] =	vst v63  }
0xc4: {  	s16 =	rddreg [dreg:$0x6];
	s12 =	sadd.s32 s10, s14  }
0xc5: {  	[tilespmem:s3], [sflag:$0x1] =	stream.linear.gather [hbm4b:s12+s3], $0x80, $0x38;
	[tilespmem:$0x1BC80] =	vst v63  }
0xc6: {  	s17 =	sadd.s32 s10, s16  }
0xc7: {  	[tilespmem:s18], [sflag:$0x1] =	stream.linear.gather [hbm4b:s17+s3], $0x80, $0x38;
	[tilespmem:$0x1BC80] =	vst v63  }
0xc8: {  	_ =	swait.ge [sflag:s15], $0x4000  }
0xc9: {  	[sflag:s15] =	ssyncset.done $0x0  }
0xca: {  	[sflag:s15] =	ssyncadd.s32 $0xFFFFC000  }
0xcb: {  	[spmem:s2] =	stream.indirect.scatter.add.f32 [tilespmem:s29], [sflag:$0x7], $0x80, s19, s18, $0xb8;
	[tilespmem:$0x1BC80] =	vst v63  }
0xcc: {  	_ =	swait.ge [sflag:s31], $0x4000  }
0xcd: {  	[sflag:s31] =	ssyncset.done $0x0  }
0xce: {  	[sflag:s31] =	ssyncadd.s32 $0xFFFFC000  }
0xcf: {  	_ =	swait.ge [sflag:s4], $0x80  }
0xd0: {  	[sflag:s4] =	ssyncset.done $0x0  }
0xd1: {  	[sflag:s4] =	ssyncadd.s32 $0xFFFFFF80  }
0xd2: {  	_ =	swait.ge [sflag:s4], $0x80  }
0xd3: {  	[sflag:s4] =	ssyncset.done $0x0  }
0xd4: {  	s13 =	rddreg [dreg:$0x5];
	[sflag:s4] =	ssyncadd.s32 $0xFFFFFF80  }
0xd5: {  	[tilespmem:s29], [sflag:$0x6] =	stream.indirect.gather [hbm4b:s1+s18], $0x80, s24, s18, $0xb8;
	[tilespmem:$0x1BC80] =	vst v63  }
0xd6: {  	s14 =	rddreg [dreg:$0x4];
	s12 =	sadd.s32 s10, s13  }
0xd7: {  	[tilespmem:s19], [sflag:$0x2] =	stream.linear.gather [hbm4b:s12+s3], $0x80, $0x38;
	[tilespmem:$0x1BC80] =	vst v63  }
0xd8: {  	s16 =	sadd.s32 s10, s14  }
0xd9: {  	[tilespmem:s20], [sflag:$0x2] =	stream.linear.gather [hbm4b:s16+s3], $0x80, $0x38;
	[tilespmem:$0x1BC80] =	vst v63  }
0xda: {  	_ =	swait.ge [sflag:s30], $0x4000  }
0xdb: {  	[sflag:s30] =	ssyncset.done $0x0  }
0xdc: {  	[sflag:s30] =	ssyncadd.s32 $0xFFFFC000  }
0xdd: {  	[spmem:s2] =	stream.indirect.scatter.add.f32 [tilespmem:s26], [sflag:$0x7], $0x80, s21, s18, $0xb8;
	[tilespmem:$0x1BC80] =	vst v63  }
0xde: {  	_ =	swait.ge [sflag:s31], $0x4000  }
0xdf: {  	[sflag:s31] =	ssyncset.done $0x0  }
0xe0: {  	[sflag:s31] =	ssyncadd.s32 $0xFFFFC000  }
0xe1: {  	_ =	swait.ge [sflag:s25], $0x80  }
0xe2: {  	[sflag:s25] =	ssyncset.done $0x0  }
0xe3: {  	[sflag:s25] =	ssyncadd.s32 $0xFFFFFF80  }
0xe4: {  	s17 =	sadd.s32 $0xFFFFFFFF, s9;
	_ =	swait.ge [sflag:s25], $0x80  }
0xe5: {  	p3 =	sge.u32 s17, s5;
	[sflag:s25] =	ssyncset.done $0x0  }
0xe6: {  	s17 =	simm.s32 @!p3 $0x200;
	s12 =	rddreg [dreg:$0x9];
	[sflag:s25] =	ssyncadd.s32 $0xFFFFFF80  }
0xe7: {  	[tilespmem:s26], [sflag:$0x5] =	stream.indirect.gather [hbm4b:s1+s18], $0x80, s18, s18, $0xb8;
	[tilespmem:$0x1BC80] =	vst v63  }
0xe8: {  	s16 =	simm.s32 @!p3 $0x0;
	s13 =	rddreg [dreg:$0x8];
	s12 =	sadd.s32 @!p3 s10, s12  }
0xe9: {  	[tilespmem:s17], [sflag:$0x3] =	stream.linear.gather @!p3 [hbm4b:s12+s16], $0x80, $0x38;
	[tilespmem:$0x1BC80] =	vst v63  }
0xea: {  	s14 =	simm.s32 @!p3 $0x280;
	s12 =	sadd.s32 @!p3 s10, s13  }
0xeb: {  	[tilespmem:s14], [sflag:$0x3] =	stream.linear.gather @!p3 [hbm4b:s12+s16], $0x80, $0x38;
	[tilespmem:$0x1BC80] =	vst v63  }
0xec: {  	_ =	swait.ge [sflag:s15], $0x4000  }
0xed: {  	[sflag:s15] =	ssyncset.done $0x0  }
0xee: {  	[sflag:s15] =	ssyncadd.s32 $0xFFFFC000  }
0xef: {  	[spmem:s2] =	stream.indirect.scatter.add.f32 [tilespmem:s29], [sflag:$0x7], $0x80, s23, s18, $0xb8;
	[tilespmem:$0x1BC80] =	vst v63  }
0xf0: {  	_ =	swait.ge [sflag:s31], $0x4000  }
0xf1: {  	[sflag:s31] =	ssyncset.done $0x0  }
0xf2: {  	[sflag:s31] =	ssyncadd.s32 $0xFFFFC000  }
0xf3: {  	_ =	swait.ge [sflag:s28], $0x80  }
0xf4: {  	s8 =	sadd.s32 $0x40, s8;
	[sflag:s28] =	ssyncset.done $0x0  }
0xf5: {  	p2 =	sne.s32 s8, $0x4C0;
	[sflag:s28] =	ssyncadd.s32 $0xFFFFFF80  }
.Ltmp2:
0xf6: {  	s11 =	smov.u32 s9;
	_ =	swait.ge [sflag:s28], $0x80;
	(pc) =	sbr.rel @p2 .LBB2_2-.Ltmp2, $4  }
0xf7: {  	s9 =	sadd.s32 $0x4, s9;
	p3 =	sge.u32 s11, s5;
	s13 =	rddreg [dreg:$0xb]  }
0xf8: {  	s14 =	simm.s32 @!p3 $0x300;
	[sflag:s28] =	ssyncset.done $0x0;
	s12 =	rddreg [dreg:$0xa]  }
0xf9: {  	[sflag:s28] =	ssyncadd.s32 $0xFFFFFF80;
	s11 =	sadd.s32 @!p3 s10, s13;
	s13 =	simm.s32 @!p3 $0x0  }
0xfa: {  	[tilespmem:s29], [sflag:$0x6] =	stream.indirect.gather [hbm4b:s1+s18], $0x80, s20, s18, $0xb8;
	[tilespmem:$0x1BC80] =	vst v63  }
0xfb: {  	[tilespmem:s14], [sflag:$0x4] =	stream.linear.gather @!p3 [hbm4b:s11+s13], $0x80, $0x38;
	[tilespmem:$0x1BC80] =	vst v63  }
0xfc: {  	s8 =	sadd.s32 @!p3 s10, s12;
	s9 =	simm.s32 @!p3 $0x380  }
0xfd: {  	[tilespmem:s9], [sflag:$0x4] =	stream.linear.gather @!p3 [hbm4b:s8+s13], $0x80, $0x38;
	[tilespmem:$0x1BC80] =	vst v63  }
0xfe: {  	_ =	swait.ge [sflag:s30], $0x4000  }
0xff: {  	[sflag:s30] =	ssyncset.done $0x0  }
.Ltmp3:
0x100: {  	[sflag:s30] =	ssyncadd.s32 $0xFFFFC000;
	(pc) =	sbr.rel @!p1 .LBB2_4-.Ltmp3, $4  }
0x101: {  	[spmem:s2] =	stream.indirect.scatter.add.f32 [tilespmem:s26], [sflag:$0x7], $0x80, s3, s18, $0xb8;
	[tilespmem:$0x1BC80] =	vst v63  }
0x102: {  	_ =	swait.ge [sflag:s31], $0x4000  }
0x103: {  	[sflag:s31] =	ssyncset.done $0x0  }
0x104: {  	[sflag:s31] =	ssyncadd.s32 $0xFFFFC000  }
0x105: {  	_ =	swait.ge [sflag:s15], $0x4000  }
0x106: {  	[sflag:s15] =	ssyncset.done $0x0  }
0x107: {  	[sflag:s15] =	ssyncadd.s32 $0xFFFFC000  }
0x108: {  	[spmem:s2] =	stream.indirect.scatter.add.f32 [tilespmem:s29], [sflag:$0x7], $0x80, s19, s18, $0xb8;
	[tilespmem:$0x1BC80] =	vst v63  }
.Ltmp4:
0x109: {  	_ =	swait.ge [sflag:s31], $0x4000;
	(pc) =	sbr.rel @p0 .LBB2_7-.Ltmp4, $4  }
.Ltmp5:
0x10a: {  	[sflag:s31] =	ssyncset.done $0x0;
	(pc) =	sbr.rel @!p0 .LBB2_6-.Ltmp5, $4  }
0x10b: {  	[sflag:s31] =	ssyncadd.s32 $0xFFFFC000  }
0x10c: {  	[bflag:$0x0] =	sbarrier.arrive $0xFFFF  }
0x10d: {  	_ = 	snop  }
0x10e: {  	_ = 	snop  }
.LBB2_8:
0x10f: {  	_ =	sfence.sel $0x180000  }
0x110: {  	[bflag:$0x0] =	sbarrier.arrive $0xFFFF  }
0x111: {  	_ =	strace $0x9000004A  }
0x112: {  	s0 =	stileid.u32;
	[bflag:$0x2] =	sbarrier.arrive $0xFFFF  }
0x113: {  	p0 =	sne.s32 s0, $0x0;
	s0 =	rddreg [dreg:$0x3]  }
0x114: {  	s0 =	sadd.s32 @!p0 $0x100000, s0  }
0x115: {  	[sflag:s0] =	ssyncadd.tile.s32 @!p0 $0x1;
	_ =	shalt  }
.Lfunc_end2:
_tile_overlayer_lowered:
.L_overlay_start_2:
0x116: {  	(tag) =	ssettag $0x2  }
0x117: {  	s0 =	rddreg [dreg:$0x0];
	s2 =	stileid.u32  }
0x118: {  	s1 =	rddreg [dreg:$0x1];
	p0 =	sne.s32 s2, $0x0  }
0x119: {  	s3 =	rddreg [dreg:$0x2];
	[bflag:$0x3] =	sbarrier.arrive $0xFFFF;
	s2 =	simm.s32 @!p0 $0x1C07  }
0x11a: {  	[timem:s3], [sflag:s2] =	dma.local @!p0 [hbm:s0], s1  }
0x11b: {  	s0 =	simm.s32 @!p0 $0x7  }
0x11c: {  	_ =	swait.ge @!p0 [sflag:s0], s1  }
0x11d: {  	s1 =	ssub.s32 @!p0 $0x0, s1;
	[sflag:s0] =	ssyncset.done @!p0 $0x0  }
0x11e: {  	[sflag:s0] =	ssyncadd.s32 @!p0 s1  }
0x11f: {  	[bflag:$0x3] =	sbarrier.arrive $0xFFFF  }
0x120: {  	_ =	shalt  }

// kernel: kernel.7.cloned.1.call-start
scs
__scs_entry_jumppad:
0x0: {  	(pc) =	sbr.rel $0x88, $3  }
0x1: {  	(tag) =	ssettag $0x0;
	lr =	simm.s32 $0x1  }
0x2: {  	[smem:$0x3F9D] =	sst lr;
	_ =	strace $0xD0000000  }
0x3: {  	_ = 	snop  }
0x4: {  	_ = 	snop  }
0x5: {  	_ = 	snop  }
0x6: {  	_ = 	snop  }
0x7: {  	_ = 	snop  }
__scs_overlays_trampoline_lowered:
0x8: {  	[smem:$0x3FAC] =	sst s0  }
0x9: {  	[smem:$0x3FAD] =	sst s1  }
0xa: {  	[smem:$0x3FAE] =	sst s2  }
0xb: {  	[smem:$0x3FAF] =	sst s3  }
0xc: {  	[smem:$0x3FB0] =	sst s4  }
0xd: {  	[smem:$0x3FB1] =	sst s5  }
0xe: {  	[smem:$0x3FB2] =	sst s6  }
0xf: {  	[smem:$0x3FB3] =	sst s7  }
0x10: {  	[smem:$0x3FB4] =	sst s8  }
0x11: {  	[smem:$0x3FB5] =	sst s9;
	s0 =	simm.s32 @!p0 $0x0  }
0x12: {  	s1 =	sld [smem:$0x3F9B];
	s0 =	simm.s32 @p0 $0x1  }
0x13: {  	[smem:$0x3FB6] =	sst s0;
	s0 =	simm.s32 @!p1 $0x0  }
0x14: {  	s2 =	sld [smem:$0x3F9A];
	s0 =	simm.s32 @p1 $0x1  }
0x15: {  	[smem:$0x3FB7] =	sst s0;
	s0 =	simm.s32 @!p2 $0x0  }
0x16: {  	s3 =	sld [smem:$0x3FDB];
	s0 =	simm.s32 @p2 $0x1  }
0x17: {  	s4 =	simm.s32 $0x1BF5;
	[smem:$0x3FB9] =	sst s0  }
0x18: {  	s0 =	sld [smem:$0x3F9C];
	_ =	swait.ge [sflag:s4], $0x0  }
0x19: {  	s7 =	sld [smem:$0x3F9D]  }
0x1a: {  	s8 =	sadd.s32 $0xFFFFE003, lr  }
0x1b: {  	s9 =	sadd.s32 $0xFFFFFEF7, lr;
	s5 =	simm.s32 $0xFFFFFFFF;
	p2 =	slt.u32 s8, $0xFFFFF086  }
0x1c: {  	p1 =	slt.u32 s9, $0xF7A;
	s5 =	simm.s32 @!p2 $0x0  }
0x1d: {  	s5 =	simm.s32 @p1 $0x1;
	p0 =	seq.s32 s7, s2  }
0x1e: {  	s7 =	smul.u32 @!p0 $0xF7A, s2;
	p2 =	seq.s32 @!p0 s5, $0x0  }
0x1f: {  	s9 =	smul.u32 $0xF7A, s1;
	s8 =	simm.s32 @!p0 $0x1BF5;
	p2 =	por !p2, p0  }
0x20: {  	[sflag:s8] =	ssyncset.s32 @!p0 $0xFFFFF086;
	s6 =	sadd.s32 @!p0 s3, s7;
	s7 =	simm.s32 @!p0 $0x108  }
0x21: {  	s3 =	sadd.s32 s3, s9;
	s6 =	sadd.s32 @!p0 $0x88, s6;
	s7 =	simm.s32 @p2 $0x1082  }
0x22: {  	[simem:s7], [sflag:s8] =	dma.local @!p0 [hbm:s6], $0xF7A  }
0x23: {  	s9 =	sor.u32 $0xD0000000, s2;
	s6 =	simm.s32 $0x108;
	_ =	swait.ge @!p0 [sflag:s8], $0x0  }
0x24: {  	s3 =	sadd.s32 $0x88, s3;
	s6 =	simm.s32 @!p1 $0x1082;
	[sflag:s4] =	ssyncset.s32 $0xFFFFF086  }
0x25: {  	[simem:s6], [sflag:s4] =	dma.local [hbm:s3], $0xF7A  }
0x26: {  	[smem:$0x3F9D] =	sst s1;
	(tag) =	ssettag s2;
	_ =	strace s9  }
0x27: {  	s1 =	sld [smem:$0x3FAD]  }
0x28: {  	s2 =	sld [smem:$0x3FAE]  }
0x29: {  	s4 =	sld [smem:$0x3FB0]  }
0x2a: {  	p0 =	seq.s32 s5, $0x0;
	s5 =	sld [smem:$0x3FB1]  }
0x2b: {  	s6 =	sld [smem:$0x3FB2]  }
0x2c: {  	s7 =	sld [smem:$0x3FB3]  }
0x2d: {  	s3 =	simm.s32 $0x108;
	s8 =	sld [smem:$0x3FB4]  }
0x2e: {  	s3 =	simm.s32 @!p0 $0x1082;
	s9 =	sld [smem:$0x3FB5]  }
0x2f: {  	lr =	sadd.s32 s0, s3;
	s0 =	sld [smem:$0x3FAC]  }
0x30: {  	s3 =	sld [smem:$0x3FAF]  }
0x31: {  	[smem:$0x3FB8] =	sst s10  }
0x32: {  	s10 =	sld [smem:$0x3FB6];
	_ =	sdelay $0x3  }
0x33: {  	p0 =	seq.s32 s10, $0x1;
	s10 =	sld [smem:$0x3FB8];
	_ =	sdelay $0x3  }
0x34: {  	[smem:$0x3FB8] =	sst s10  }
0x35: {  	s10 =	sld [smem:$0x3FB7];
	_ =	sdelay $0x3  }
0x36: {  	p1 =	seq.s32 s10, $0x1;
	s10 =	sld [smem:$0x3FB8];
	_ =	sdelay $0x3  }
0x37: {  	[smem:$0x3FB8] =	sst s10  }
0x38: {  	s10 =	sld [smem:$0x3FB9]  }
0x39: {  	_ = 	snop;
	(pc) =	sbr.ind lr, $3  }
0x3a: {  	_ = 	snop  }
0x3b: {  	_ = 	snop  }
0x3c: {  	p2 =	seq.s32 s10, $0x1;
	s10 =	sld [smem:$0x3FB8]  }
0x3d: {  	_ =	shalt  }
0x3e: {  	_ =	shalt  }
0x3f: {  	_ =	shalt  }
0x40: {  	_ =	shalt  }
0x41: {  	_ =	shalt  }
0x42: {  	_ =	shalt  }
0x43: {  	_ =	shalt  }
0x44: {  	_ =	shalt  }
0x45: {  	_ =	shalt  }
0x46: {  	_ =	shalt  }
0x47: {  	_ =	shalt  }
0x48: {  	_ =	shalt  }
0x49: {  	_ =	shalt  }
0x4a: {  	_ =	shalt  }
0x4b: {  	_ =	shalt  }
0x4c: {  	_ =	shalt  }
0x4d: {  	_ =	shalt  }
0x4e: {  	_ =	shalt  }
0x4f: {  	_ =	shalt  }
0x50: {  	_ =	shalt  }
0x51: {  	_ =	shalt  }
0x52: {  	_ =	shalt  }
0x53: {  	_ =	shalt  }
0x54: {  	_ =	shalt  }
0x55: {  	_ =	shalt  }
0x56: {  	_ =	shalt  }
0x57: {  	_ =	shalt  }
0x58: {  	_ =	shalt  }
0x59: {  	_ =	shalt  }
0x5a: {  	_ =	shalt  }
0x5b: {  	_ =	shalt  }
0x5c: {  	_ =	shalt  }
0x5d: {  	_ =	shalt  }
0x5e: {  	_ =	shalt  }
0x5f: {  	_ =	shalt  }
0x60: {  	_ =	shalt  }
0x61: {  	_ =	shalt  }
0x62: {  	_ =	shalt  }
0x63: {  	_ =	shalt  }
0x64: {  	_ =	shalt  }
0x65: {  	_ =	shalt  }
0x66: {  	_ =	shalt  }
0x67: {  	_ =	shalt  }
0x68: {  	_ =	shalt  }
0x69: {  	_ =	shalt  }
0x6a: {  	_ =	shalt  }
0x6b: {  	_ =	shalt  }
0x6c: {  	_ =	shalt  }
0x6d: {  	_ =	shalt  }
0x6e: {  	_ =	shalt  }
0x6f: {  	_ =	shalt  }
0x70: {  	_ =	shalt  }
0x71: {  	_ =	shalt  }
0x72: {  	_ =	shalt  }
0x73: {  	_ =	shalt  }
0x74: {  	_ =	shalt  }
0x75: {  	_ =	shalt  }
0x76: {  	_ =	shalt  }
0x77: {  	_ =	shalt  }
0x78: {  	_ =	shalt  }
0x79: {  	_ =	shalt  }
0x7a: {  	_ =	shalt  }
0x7b: {  	_ =	shalt  }
0x7c: {  	_ =	shalt  }
0x7d: {  	_ =	shalt  }
0x7e: {  	_ =	shalt  }
0x7f: {  	_ =	shalt  }
0x80: {  	_ =	shalt  }
0x81: {  	_ =	shalt  }
0x82: {  	_ =	shalt  }
0x83: {  	_ =	shalt  }
0x84: {  	_ =	shalt  }
0x85: {  	_ =	shalt  }
0x86: {  	_ =	shalt  }
0x87: {  	_ =	shalt  }
.Lfunc_end0:
.L_simem_size_0:
called_computation_lowered:
.L_overlay_start_0:
0x88: {  	s2 =	sld [smem:$0x3FD9]  }
0x89: {  	s3 =	sld [smem:$0x3FFE];
	_ =	sdelay $0x1  }
0x8a: {  	s1 =	srdreg.scid  }
0x8b: {  	s0 =	sand.u32 $0x1, s1  }
0x8c: {  	s17 =	sshll.u32 s0, $0xA;
	s2 =	sadd.s32 s3, s2  }
0x8d: {  	s2 =	sadd.s32 s2, s17  }
0x8e: {  	[smem:$0x3FC4] =	sst s2  }
0x8f: {  	_ = 	snop  }
0x90: {  	s2 =	sld [smem:$0x3FD0];
	(tm) =	ssettm $0x1  }
0x91: {  	s18 =	sld [smem:$0x3FFB];
	_ =	sdelay $0x3  }
0x92: {  	_ =	strace s18  }
0x93: {  	s3 =	sld [smem:$0x3FFC];
	_ =	sdelay $0x3  }
0x94: {  	_ =	strace s3  }
0x95: {  	s3 =	sld [smem:$0x3FFD];
	_ =	sdelay $0x3  }
0x96: {  	_ =	strace s3  }
0x97: {  	_ =	strace $0x8FFFFFFF  }
0x98: {  	s19 =	sld [smem:$0x3FDB];
	_ =	sdelay $0x1  }
0x99: {  	s4 =	simm.s32 $_scs_section_size  }
0x9a: {  	s5 =	simm.s32 $_size__tile_overlayer_lowered;
	s6 =	simm.s32 $_tile_overlayer_lowered  }
0x9b: {  	s22 =	simm.s32 $0x1BFF;
	s21 =	sshll.u32 s6, $0x1;
	s3 =	sadd.s32 s4, s19  }
0x9c: {  	s7 =	simm.s32 $0x0;
	s20 =	sshll.u32 s5, $0x1;
	s5 =	sadd.s32 s21, s3  }
0x9d: {  	[timem:s7], [sflag:s22] =	dma.local [hbm:s5], s20  }
0x9e: {  	_ =	swait.ge [sflag:s22], s20  }
0x9f: {  	s4 =	ssub.s32 $0x0, s20;
	[sflag:s22] =	ssyncset.done $0x0  }
0xa0: {  	[sflag:s22] =	ssyncadd.s32 s4;
	_ =	sdelay $0x1  }
0xa1: {  	s23 =	simm.s32 $0x1B8B  }
0xa2: {  	_ =	swait.ge [sflag:s23], $0x1  }
0xa3: {  	[sflag:s23] =	ssyncset.done $0x0  }
0xa4: {  	s25 =	simm.s32 $0x1B8E;
	s24 =	sld [smem:$0x3FFE];
	[sflag:s23] =	ssyncadd.s32 $0xFFFFFFFF  }
0xa5: {  	s26 =	simm.s32 $execute0_lowered;
	[smem:$0x3FD2] =	sst s25  }
0xa6: {  	s5 =	sshll.u32 s26, $0x1;
	_ =	strace $0x80000046;
	[dreg:$0x1] =	wrdreg $0xFFFFFFFF  }
0xa7: {  	s28 =	simm.s32 $_size_execute0_lowered;
	s3 =	sadd.s32 s3, s5;
	[dreg:$0x0] =	wrdreg $0x0  }
0xa8: {  	s5 =	sshll.u32 s28, $0x1;
	[dreg:$0x2] =	wrdreg s3  }
0xa9: {  	[dreg:$0x3] =	wrdreg s5  }
0xaa: {  	[dreg:$0x4] =	wrdreg $0xC0  }
0xab: {  	_ =	task [dreg:s7], $0x5FFFF  }
0xac: {  	[dreg:$0x1] =	wrdreg $0xFFFFFFFF  }
0xad: {  	[dreg:$0x0] =	wrdreg $0x60  }
0xae: {  	[dreg:$0x2] =	wrdreg s2  }
0xaf: {  	[dreg:$0x3] =	wrdreg s24  }
0xb0: {  	[dreg:$0x4] =	wrdreg $0x28800  }
0xb1: {  	[dreg:$0x5] =	wrdreg $0x9  }
0xb2: {  	_ =	task.clear_ibuf [dreg:s7], $0x6FFFF;
	_ =	strace $0x90000046  }
0xb3: {  	s29 =	simm.s32 $0x9;
	_ =	strace $0x80000048  }
0xb4: {  	_ =	swait.ge [sflag:s29], $0x1  }
0xb5: {  	[sflag:s29] =	ssyncadd.s32 $0xFFFFFFFF  }
0xb6: {  	_ =	strace $0x90000048  }
0xb7: {  	_ =	sfence  }
0xb8: {  	s30 =	sld [smem:$0x0];
	_ =	sdelay $0x2  }
0xb9: {  	s31 =	sshll.u32 s1, $0xD;
	s1 =	sshrl.u32 s1, $0x2  }
0xba: {  	s3 =	sand.u32 $0x4000, s31;
	s1 =	sadd.s32 s1, s30  }
0xbb: {  	s0 =	sor.u32 s3, s0;
	s1 =	sshll.u32 s1, $0x11  }
0xbc: {  	s0 =	sor.u32 s1, s0  }
0xbd: {  	s0 =	sadd.s32 $0x8F2B, s0  }
0xbe: {  	[sflag:s0] =	ssyncadd.remote.s32 $0x1  }
0xbf: {  	_ =	sfence.sel $0xFFFF  }
0xc0: {  	[dreg:$0x0] =	wrdreg $0xFFFFFFFF;
	(pc) =	sbr.abs _section_cstart, $3  }
0xc1: {  	[dreg:$0x1] =	wrdreg $0xFFFFFFFF  }
0xc2: {  	_ =	task.clear_ibuf [dreg:s7], $0x2FFFF;
	_ =	strace $0x9FFFFFFF  }
0xc3: {  	(tm) =	ssettm $0x7FFFFFFF  }
tec
execute0_lowered:
.L_overlay_start_1:
0x0: {  	(tag) =	ssettag $0x1  }
0x1: {  	s4 =	rddreg [dreg:$0x0]  }
0x2: {  	s5 =	rddreg [dreg:$0x1]  }
0x3: {  	s1 =	rddreg [dreg:$0x2]  }
0x4: {  	s0 =	rddreg [dreg:$0x3]  }
0x5: {  	s2 =	simm.s32 $0x0;
	s3 =	srdreg.scid;
	s6 =	stileid.u32  }
0x6: {  	s11 =	simm.s32 $0x0;
	[smem:$0x7FF] =	sst s2;
	s3 =	sand.u32 $0x1, s3  }
0x7: {  	s7 =	sshll.u32 s6, $0x1;
	p0 =	sne.s32 s6, $0x0;
	_ =	strace $0x80000047  }
0x8: {  	s8 =	ssub.s32 $0x2, s3;
	s7 =	sor.u32 s3, s7;
	s9 =	sshll.u32 s3, $0x4  }
0x9: {  	s3 =	sadd.s32 $0x14800, s5;
	s10 =	sshrl.u32 s8, $0x1;
	s7 =	smul.u32 $0x500, s7  }
0xa: {  	s5 =	sadd.s32 s9, s5;
	s9 =	simm.s32 $0x7D;
	s8 =	ssub.s32 s8, s10  }
0xb: {  	s5 =	sadd.s32 $0x14E00, s5;
	s10 =	simm.s32 $0x2800;
	s4 =	sadd.s32 s4, s7  }
0xc: {  	v0 =	vimm.f32 $1.000000000e+00;
	s6 =	smax.u32 s8, $0x1;
	s7 =	sshrl.u32 @!p0 s1, $0x3;
	s8 =	simm.s32 $0x1  }
.LBB2_1:
0xd: {  	s12 =	simm.s32 @!p0 $0x1C01  }
0xe: {  	[spmem:s7], [sflag:s12] =	dma.local @!p0 [hbm:s3], $0x4F0  }
0xf: {  	s12 =	simm.s32 @!p0 $0x1  }
0x10: {  	_ =	swait.ge @!p0 [sflag:s12], $0x4F0  }
0x11: {  	[sflag:s12] =	ssyncset.done @!p0 $0x0  }
0x12: {  	[sflag:s12] =	ssyncadd.s32 @!p0 $0xFFFFFB10  }
0x13: {  	[tilespmem:$0x2800] =	vst v0  }
0x14: {  	[tilespmem:$0x2810] =	vst v0  }
0x15: {  	[tilespmem:$0x2820] =	vst v0  }
0x16: {  	[tilespmem:$0x2830] =	vst v0  }
0x17: {  	[tilespmem:$0x2840] =	vst v0  }
0x18: {  	[tilespmem:$0x2850] =	vst v0  }
0x19: {  	[tilespmem:$0x2860] =	vst v0  }
0x1a: {  	[tilespmem:$0x2870] =	vst v0  }
0x1b: {  	[tilespmem:s2], [sflag:$0x1] =	stream.linear.gather [hbm4b:s4+s2], $0x2800, $0x38;
	[tilespmem:$0x2AF8] =	vst v63  }
0x1c: {  	_ =	swait.ge [sflag:s8], $0x2800  }
0x1d: {  	[sflag:s8] =	ssyncset.done $0x0  }
0x1e: {  	[sflag:s8] =	ssyncadd.s32 $0xFFFFD800  }
0x1f: {  	s31 =	simm.s32 $0x0;
	[bflag:$0x0] =	sbarrier.arrive $0xFFFF  }
0x20: {  	[spmem:s1] =	stream.indirect.scatter.add.f32 [tilespmem:s10], [sflag:$0x1], $0x1, s31, s9, $0xb8;
	[tilespmem:$0x2AF8] =	vst v63  }
0x21: {  	_ =	swait.ge [sflag:s8], $0x7D  }
0x22: {  	s12 =	simm.s32 $0x200;
	[sflag:s8] =	ssyncset.done $0x0  }
.LBB2_2:
0x23: {  	s13 =	sshra.s32 s12, $0x2;
	[sflag:s8] =	ssyncadd.s32 $0xFFFFFF83;
	p1 =	sne.s32 s12, $0x9E00  }
0x24: {  	[spmem:s1] =	stream.indirect.scatter.add.f32 [tilespmem:s10], [sflag:$0x1], $0x1, s13, s9, $0xb8;
	[tilespmem:$0x2AF8] =	vst v63  }
.Ltmp0:
0x25: {  	_ = 	snop;
	(pc) =	sbr.rel @p1 .LBB2_2-.Ltmp0, $4  }
0x26: {  	_ = 	snop  }
0x27: {  	s12 =	sadd.s32 $0x200, s12  }
0x28: {  	_ =	swait.ge [sflag:s8], $0x7D  }
0x29: {  	[sflag:s8] =	ssyncset.done $0x0  }
0x2a: {  	[sflag:s8] =	ssyncadd.s32 $0xFFFFFF83;
	s12 =	simm.s32 @!p0 $0x1;
	s11 =	sadd.s32 $0x1, s11  }
0x2b: {  	s13 =	simm.s32 @!p0 $0x20;
	s14 =	simm.s32 @!p0 $0x10;
	p1 =	sne.s32 s11, s6  }
.Ltmp1:
0x2c: {  	s15 =	simm.s32 @!p0 $0x1C01;
	[bflag:$0x0] =	sbarrier.arrive $0xFFFF;
	(pc) =	sbr.rel @p1 .LBB2_1-.Ltmp1, $4  }
0x2d: {  	[hbm:s5@s13], [sflag:s15] =	dma.strided @!p0 [spmem:s7@s14], $0x4F0, s12, $0x10   }
0x2e: {  	_ =	swait.ge @!p0 [sflag:s12], $0x4F0  }
0x2f: {  	[sflag:s12] =	ssyncset.done @!p0 $0x0  }
0x30: {  	[sflag:s12] =	ssyncadd.s32 @!p0 $0xFFFFFB10  }
0x31: {  	_ =	sfence.sel $0x180000  }
0x32: {  	[bflag:$0x0] =	sbarrier.arrive $0xFFFF  }
0x33: {  	_ =	strace $0x90000047  }
0x34: {  	s0 =	sadd.s32 @!p0 $0x100000, s0;
	[bflag:$0x2] =	sbarrier.arrive $0xFFFF  }
0x35: {  	[sflag:s0] =	ssyncadd.tile.s32 @!p0 $0x1;
	_ =	shalt  }
.Lfunc_end2:
_tile_overlayer_lowered:
.L_overlay_start_2:
0x36: {  	(tag) =	ssettag $0x2  }
0x37: {  	s0 =	rddreg [dreg:$0x0];
	s2 =	stileid.u32  }
0x38: {  	s1 =	rddreg [dreg:$0x1];
	p0 =	sne.s32 s2, $0x0  }
0x39: {  	s3 =	rddreg [dreg:$0x2];
	[bflag:$0x3] =	sbarrier.arrive $0xFFFF;
	s2 =	simm.s32 @!p0 $0x1C01  }
0x3a: {  	[timem:s3], [sflag:s2] =	dma.local @!p0 [hbm:s0], s1  }
0x3b: {  	s0 =	simm.s32 @!p0 $0x1  }
0x3c: {  	_ =	swait.ge @!p0 [sflag:s0], s1  }
0x3d: {  	s1 =	ssub.s32 @!p0 $0x0, s1;
	[sflag:s0] =	ssyncset.done @!p0 $0x0  }
0x3e: {  	[sflag:s0] =	ssyncadd.s32 @!p0 s1  }
0x3f: {  	[bflag:$0x3] =	sbarrier.arrive $0xFFFF  }
0x40: {  	_ =	shalt  }

</sc_bundles>
